<compile_context>
chip_gen: v7x
topology: tpu7x:2x2x1
jax: 0.10.2.dev20260603
libtpu: 0.0.44.dev20260713+nightly
codegen_flags: <defaults>
</compile_context>

<pallas_src>
import functools

import jax
import jax.numpy as jnp
from jax import lax
from jax.experimental import pallas as pl
from jax.experimental.pallas import tpu as pltpu
from jax.experimental.pallas import tpu_sc as plsc

B, C, P = 4, 36, 4096
K = 4
F = 32
TI = 512
TN = 1024
_SQRT2 = 1.4142135623730951



def _knn_body(feat_all_ref, feat_blk_ref, idx_ref):
    b = pl.program_id(0)
    feat_all = feat_all_ref[0]
    feat_blk = feat_blk_ref[0]
    sq_all = jnp.sum(feat_all * feat_all, axis=0, keepdims=True)
    sq_blk = jnp.sum(feat_blk * feat_blk, axis=0)
    g2 = lax.dot_general(
        feat_blk * -2.0, feat_all, (((0,), (0,)), ((), ())),
        preferred_element_type=jnp.float32,
        precision=lax.Precision.DEFAULT,
    )
    dist = (sq_blk.reshape(TI, 1) + sq_all) + g2
    iota_j = lax.broadcasted_iota(jnp.int32, (TI, P), 1)
    cols = []
    for _ in range(K):
        amin = jnp.argmin(dist, axis=1).astype(jnp.int32)
        amin = amin.reshape(TI, 1)
        cols.append(amin)
        dist = jnp.where(iota_j == amin, jnp.float32(jnp.inf), dist)
    iota_k = lax.broadcasted_iota(jnp.int32, (TI, K), 1)
    out = jnp.zeros((TI, K), jnp.int32)
    for k in range(K):
        out = jnp.where(iota_k == k, cols[k] + b * P, out)
    idx_ref[0] = out


def _knn(feat):
    return pl.pallas_call(
        _knn_body,
        grid=(B, P // TI),
        in_specs=[
            pl.BlockSpec((1, F, P), lambda b, i: (b, 0, 0)),
            pl.BlockSpec((1, F, TI), lambda b, i: (b, 0, i)),
        ],
        out_specs=pl.BlockSpec((1, TI, K), lambda b, i: (b, i, 0)),
        out_shape=jax.ShapeDtypeStruct((B, P, K), jnp.int32),
    )(feat, feat)



_NC, _NS, _L = 2, 16, 16
_NW = _NC * _NS
_ROWS = B * P * K
_RPW = _ROWS // _NW
_CH = 128


def _gather_body(table_hbm, idx_hbm, out_hbm, idx_v, rows_v, gsem, ssem):
    wid = lax.axis_index("s") * _NC + lax.axis_index("c")
    base = wid * _RPW
    pltpu.sync_copy(idx_hbm.at[pl.ds(base, _RPW)], idx_v)
    n_ch = _RPW // _CH
    gathers = []
    for j in range(n_ch):
        gathers.append(pltpu.async_copy(
            table_hbm.at[idx_v.at[pl.ds(j * _CH, _CH)]],
            rows_v.at[pl.ds(j * _CH, _CH)], gsem))
    scatters = []
    for j in range(n_ch):
        gathers[j].wait()
        scatters.append(pltpu.async_copy(
            rows_v.at[pl.ds(j * _CH, _CH)],
            out_hbm.at[pl.ds(base + j * _CH, _CH)], ssem))
    for cp in scatters:
        cp.wait()


def _gather(table, idx_flat):
    mesh = plsc.VectorSubcoreMesh(core_axis_name="c", subcore_axis_name="s")
    run = functools.partial(
        pl.kernel, mesh=mesh,
        out_type=jax.ShapeDtypeStruct((_ROWS, F), jnp.float32),
        scratch_types=[
            pltpu.VMEM((_RPW,), jnp.int32),
            pltpu.VMEM((_RPW, F), jnp.float32),
            pltpu.SemaphoreType.DMA,
            pltpu.SemaphoreType.DMA,
        ],
        compiler_params=pltpu.CompilerParams(use_tc_tiling_on_sc=False),
    )(_gather_body)
    return run(table, idx_flat)



def _layernorm(h, g, b):
    mu = jnp.mean(h, axis=-1, keepdims=True)
    var = jnp.mean((h - mu) ** 2, axis=-1, keepdims=True)
    return (h - mu) / jnp.sqrt(var + 1e-5) * g + b


def _gelu(h):
    return 0.5 * h * (1.0 + lax.erf(h / _SQRT2))


def _mm(a, w):
    return lax.dot_general(a, w, (((1,), (0,)), ((), ())),
                           preferred_element_type=jnp.float32,
                           precision=lax.Precision.DEFAULT)


def _mm_t(a_t, w):
    return lax.dot_general(a_t, w, (((0,), (0,)), ((), ())),
                           preferred_element_type=jnp.float32,
                           precision=lax.Precision.DEFAULT)


def _mlp_body(n0, n1, n2, n3, selfxt_ref, x4_ref,
              W1_ref, b1_ref, g1_ref, be1_ref, W2_ref, b2_ref,
              Wa1_ref, ba1_ref, ga_ref, bea_ref, wa2_ref, ba2_ref,
              We_ref, bee_ref, out_ref):
    W1 = W1_ref[...]
    b1 = b1_ref[...]
    g1 = g1_ref[...]
    be1 = be1_ref[...]
    W2 = W2_ref[...]
    b2 = b2_ref[...]
    Wa1 = Wa1_ref[...]
    ba1 = ba1_ref[...]
    ga = ga_ref[...]
    bea = bea_ref[...]
    wa2 = wa2_ref[...]
    ba2 = ba2_ref[0, 0]
    selfxt = selfxt_ref[0]
    branches = [n0[0, 0], n1[0, 0], n2[0, 0], n3[0, 0], None]
    cs, logits = [], []
    for xk in branches:
        h1 = _mm_t(selfxt, W1) if xk is None else _mm(xk, W1)
        h = _gelu(_layernorm(h1 + b1, g1, be1))
        c = _mm(h, W2) + b2
        a = _gelu(_layernorm(_mm(c, Wa1) + ba1, ga, bea))
        logit = jnp.sum(a * wa2, axis=1, keepdims=True) + ba2
        cs.append(c)
        logits.append(logit)
    m = logits[0]
    for l in logits[1:]:
        m = jnp.maximum(m, l)
    es = [jnp.exp(l - m) for l in logits]
    s = es[0]
    for e in es[1:]:
        s = s + e
    xs = cs[0] * (es[0] / s)
    for c, e in zip(cs[1:], es[1:]):
        xs = xs + c * (e / s)
    xe = _mm_t(selfxt, We_ref[...]) + bee_ref[...]
    out_t = jnp.transpose(xs + xe, (1, 0))
    out_ref[0] = jnp.concatenate([x4_ref[0], out_t], axis=0)


def _mlp(g4, xfeat, x, W1, b1, g1, be1, W2, b2, Wa1, ba1, ga, bea, wa2,
         ba2, We, bee):
    selft_spec = pl.BlockSpec((1, F, TN), lambda b, i: (b, 0, i))
    x4_spec = pl.BlockSpec((1, 4, TN), lambda b, i: (b, 0, i))

    def nbr_spec(k):
        return pl.BlockSpec((1, 1, TN, F), lambda b, i, k=k: (b, k, i, 0))

    def full(shape):
        return pl.BlockSpec(shape, lambda b, i: tuple(0 for _ in shape))

    return pl.pallas_call(
        _mlp_body,
        grid=(B, P // TN),
        in_specs=[
            nbr_spec(0), nbr_spec(1), nbr_spec(2), nbr_spec(3),
            selft_spec, x4_spec,
            full((32, 256)), full((1, 256)), full((1, 256)), full((1, 256)),
            full((256, 64)), full((1, 64)),
            full((64, 128)), full((1, 128)), full((1, 128)), full((1, 128)),
            full((1, 128)), full((1, 1)),
            full((32, 64)), full((1, 64)),
        ],
        out_specs=pl.BlockSpec((1, 4 + 64, TN), lambda b, i: (b, 0, i)),
        out_shape=jax.ShapeDtypeStruct((B, 4 + 64, P), jnp.float32),
    )(g4, g4, g4, g4, xfeat, x, W1, b1, g1, be1, W2, b2, Wa1, ba1, ga,
      bea, wa2, ba2, We, bee)



def kernel(x, W1, b1, g1, be1, W2, b2, Wa1, ba1, ga, bea, Wa2, ba2, We, be_,
           num_points):
    feat = x[:, 4:, :]
    idx = _knn(feat)
    xt = jnp.transpose(feat, (0, 2, 1))
    table = xt.reshape(B * P, F)
    idx_km = jnp.transpose(idx, (0, 2, 1))
    gathered = _gather(table, idx_km.reshape(_ROWS))
    g4 = gathered.reshape(B, K, P, F)
    return _mlp(
        g4, feat, x[:, :4, :], W1, b1.reshape(1, 256), g1.reshape(1, 256),
        be1.reshape(1, 256), W2, b2.reshape(1, 64), Wa1,
        ba1.reshape(1, 128), ga.reshape(1, 128), bea.reshape(1, 128),
        Wa2.reshape(1, 128), ba2.reshape(1, 1), We, be_.reshape(1, 64))

# --- scband reference (transcript-rebuilt; emitter-appended) ---
"""Pipeline reference for scband-feature-extraction-layer-15049565405702 (READ-ONLY COPY).

The authoritative reference and input builder live on the scoring server;
editing this copy changes nothing except your own understanding.
"""

import jax, jax.numpy as jnp
import numpy as np

B, C, P = 4, 36, 4096
K = 4

def _lin(key, fan_in, shape):
    bound = 1.0 / np.sqrt(fan_in)
    return jax.random.uniform(key, shape, minval=-bound, maxval=bound, dtype=jnp.float32)

def setup_inputs(seed: int = 0):
    key = jax.random.key(seed)
    ks = jax.random.split(key, 20)
    inp = {}
    inp["x"] = jax.random.normal(ks[0], (B, C, P), dtype=jnp.float32)
    inp["W1"] = _lin(ks[1], 32, (32, 256)); inp["b1"] = _lin(ks[2], 32, (256,))
    inp["g1"] = jnp.ones((256,), jnp.float32); inp["be1"] = jnp.zeros((256,), jnp.float32)
    inp["W2"] = _lin(ks[3], 256, (256, 64)); inp["b2"] = _lin(ks[4], 256, (64,))
    inp["Wa1"] = _lin(ks[5], 64, (64, 128)); inp["ba1"] = _lin(ks[6], 64, (128,))
    inp["ga"] = jnp.ones((128,), jnp.float32); inp["bea"] = jnp.zeros((128,), jnp.float32)
    inp["Wa2"] = _lin(ks[7], 128, (128, 1)); inp["ba2"] = _lin(ks[8], 128, (1,))
    inp["We"] = _lin(ks[9], 32, (32, 64)); inp["be_"] = _lin(ks[10], 32, (64,))
    inp["num_points"] = P
    return inp

def _layernorm(h, g, b):
    mu = jnp.mean(h, axis=-1, keepdims=True)
    var = jnp.mean((h - mu) ** 2, axis=-1, keepdims=True)
    return (h - mu) / jnp.sqrt(var + 1e-5) * g + b

def _forward(x, W1, b1, g1, be1, W2, b2, Wa1, ba1, ga, bea, Wa2, ba2, We, be_):
    # KNN on feature channels 4: (brute force, k=K nearest source points per target point)
    feat = x[:, 4:, :]
    sq = jnp.sum(feat * feat, axis=1)
    dist = sq[:, :, None] + sq[:, None, :] - 2.0 * jnp.einsum("bdi,bdj->bij", feat, feat)
    _, idx = jax.lax.top_k(-dist, K)            # [B, P_T, K]
    idx = jnp.transpose(idx, (0, 2, 1))         # [B, K, P] (knn_cuda transpose_mode=False layout)
    # gether_neibour
    gi = jnp.broadcast_to(idx.reshape(B, 1, K * P), (B, C, K * P))
    feature = jnp.take_along_axis(x, gi, axis=2).reshape(B, C, K, P)
    feature = jnp.transpose(feature, (0, 3, 2, 1))   # [B, P, K, C]
    feature = jnp.transpose(feature, (0, 3, 1, 2))   # [B, C, P, K] Dynamic_emsemble output
    x1 = jnp.transpose(feature, (0, 2, 3, 1))        # [B, P, K, C]
    xt = jnp.transpose(x, (0, 2, 1))[:, :, None, :]  # [B, P, 1, C]
    x1 = jnp.concatenate([x1, xt], axis=2)[..., 4:]  # [B, P, K+1, 32]
    h = _layernorm(x1 @ W1 + b1, g1, be1)
    h = jax.nn.gelu(h, approximate=False)
    x1c = h @ W2 + b2                                # [B, P, K+1, 64]
    a = _layernorm(x1c @ Wa1 + ba1, ga, bea)
    a = jax.nn.gelu(a, approximate=False)
    a = a @ Wa2 + ba2                                # [B, P, K+1, 1]
    att = jax.nn.softmax(a, axis=2)
    xs = jnp.sum(x1c * att, axis=2)                  # [B, P, 64]
    xe = jnp.transpose(x, (0, 2, 1))[:, :, 4:] @ We + be_
    x_out = xs + xe
    return jnp.concatenate([x[:, :4, :], jnp.transpose(x_out, (0, 2, 1))], axis=1)

def reference(x, W1, b1, g1, be1, W2, b2, Wa1, ba1, ga, bea, Wa2, ba2, We, be_, num_points):
    return _forward(x, W1, b1, g1, be1, W2, b2, Wa1, ba1, ga, bea, Wa2, ba2, We, be_)

if __name__ == "__main__":
    import jax
    _d = setup_inputs()
    print(jax.jit(kernel)(*tuple(_d.values())))

</pallas_src>

<mosaic_0001>
#map = affine_map<(d0, d1) -> (0, 0)>
#map1 = affine_map<(d0, d1) -> (0)>
module attributes {stable_mosaic.version = 14 : i64} {
  func.func @_gather_body(%arg0: i32, %arg1: i32, %arg2: memref<16384x32xf32, #tpu.memory_space<hbm>>, %arg3: memref<65536xi32, #tpu.memory_space<hbm>>, %arg4: memref<65536x32xf32, #tpu.memory_space<hbm>>, %arg5: memref<2048xi32, #tpu.memory_space<vmem>>, %arg6: memref<2048x32xf32, #tpu.memory_space<vmem>>, %arg7: memref<!tpu.dma_semaphore, #tpu.memory_space<semaphore_mem>>, %arg8: memref<!tpu.dma_semaphore, #tpu.memory_space<semaphore_mem>>) attributes {dimension_semantics = [#tpu.dimension_semantics<core_parallel>, #tpu.dimension_semantics<subcore_parallel>], iteration_bounds = array<i64: 2, 16>, scalar_prefetch = 0 : i64, scratch_operands = 4 : i64, tpu.core_type = #tpu.core_type<sc_vector_subcore>, window_params = [{transform_indices = #map}, {transform_indices = #map1}, {transform_indices = #map}]} {
    %mul3A = arith.constant 2 : i32
    %mul3A_0 = arith.muli %arg1, %mul3A : i32
    %add3A = arith.addi %mul3A_0, %arg0 : i32
    %mul3A_1 = arith.constant 2048 : i32
    %mul3A_2 = arith.muli %add3A, %mul3A_1 : i32
    "tpu.region"() ({
      %run_scoped3A = tpu.sem_alloc : memref<!tpu.dma_semaphore, #tpu.memory_space<semaphore_mem>>
      %dma_start3A_609 = tpu.memref_slice %arg3[%mul3A_2] : memref<65536xi32, #tpu.memory_space<hbm>> -> memref<2048xi32, #tpu.memory_space<hbm>>
      %dma_start3A_610 = tpu.memref_slice %arg3[%mul3A_2] : memref<65536xi32, #tpu.memory_space<hbm>> -> memref<2048xi32, #tpu.memory_space<hbm>>
      tpu.enqueue_dma source(%dma_start3A_610 : memref<2048xi32, #tpu.memory_space<hbm>>) target(%arg5 : memref<2048xi32, #tpu.memory_space<vmem>>) target_semaphore(%run_scoped3A : memref<!tpu.dma_semaphore, #tpu.memory_space<semaphore_mem>>)
      %dma_wait3A_611 = tpu.memref_slice %arg3[%mul3A_2] : memref<65536xi32, #tpu.memory_space<hbm>> -> memref<2048xi32, #tpu.memory_space<hbm>>
      %dma_wait3A_612 = tpu.memref_slice %arg3[%mul3A_2] : memref<65536xi32, #tpu.memory_space<hbm>> -> memref<2048xi32, #tpu.memory_space<hbm>>
      tpu.wait_dma2 semaphore(%run_scoped3A : memref<!tpu.dma_semaphore, #tpu.memory_space<semaphore_mem>>) src(%dma_wait3A_612 : memref<2048xi32, #tpu.memory_space<hbm>>) dst(%arg5 : memref<2048xi32, #tpu.memory_space<vmem>>)
      tpu.yield
    }) : () -> ()
    %dma_start3A = arith.constant 0 : i32
    %dma_start3A_3 = arith.constant 0 : i32
    %dma_start3A_4 = tpu.memref_slice %arg6[%dma_start3A, %dma_start3A_3] : memref<2048x32xf32, #tpu.memory_space<vmem>> -> memref<128x32xf32, #tpu.memory_space<vmem>>
    %dma_start3A_5 = arith.constant 0 : i32
    %dma_start3A_6 = tpu.memref_slice %arg5[%dma_start3A_5] : memref<2048xi32, #tpu.memory_space<vmem>> -> memref<128xi32, #tpu.memory_space<vmem>>
    %dma_start3A_7 = arith.constant 0 : i32
    %dma_start3A_8 = arith.constant 0 : i32
    %dma_start3A_9 = tpu.memref_slice %arg2[%dma_start3A_7, %dma_start3A_8] : memref<16384x32xf32, #tpu.memory_space<hbm>> -> memref<16384x32xf32, #tpu.memory_space<hbm>>
    tpu.enqueue_indirect_dma source(%dma_start3A_9 : memref<16384x32xf32, #tpu.memory_space<hbm>>) target(%dma_start3A_4 : memref<128x32xf32, #tpu.memory_space<vmem>>) offsets(%dma_start3A_6 : memref<128xi32, #tpu.memory_space<vmem>>) semaphore(%arg7 : memref<!tpu.dma_semaphore, #tpu.memory_space<semaphore_mem>>)
    %dma_start3A_10 = arith.constant 128 : i32
    %dma_start3A_11 = arith.constant 0 : i32
    %dma_start3A_12 = tpu.memref_slice %arg6[%dma_start3A_10, %dma_start3A_11] : memref<2048x32xf32, #tpu.memory_space<vmem>> -> memref<128x32xf32, #tpu.memory_space<vmem>>
    %dma_start3A_13 = arith.constant 128 : i32
    %dma_start3A_14 = tpu.memref_slice %arg5[%dma_start3A_13] : memref<2048xi32, #tpu.memory_space<vmem>> -> memref<128xi32, #tpu.memory_space<vmem>>
    %dma_start3A_15 = arith.constant 0 : i32
    %dma_start3A_16 = arith.constant 0 : i32
    %dma_start3A_17 = tpu.memref_slice %arg2[%dma_start3A_15, %dma_start3A_16] : memref<16384x32xf32, #tpu.memory_space<hbm>> -> memref<16384x32xf32, #tpu.memory_space<hbm>>
    tpu.enqueue_indirect_dma source(%dma_start3A_17 : memref<16384x32xf32, #tpu.memory_space<hbm>>) target(%dma_start3A_12 : memref<128x32xf32, #tpu.memory_space<vmem>>) offsets(%dma_start3A_14 : memref<128xi32, #tpu.memory_space<vmem>>) semaphore(%arg7 : memref<!tpu.dma_semaphore, #tpu.memory_space<semaphore_mem>>)
    %dma_start3A_18 = arith.constant 256 : i32
    %dma_start3A_19 = arith.constant 0 : i32
    %dma_start3A_20 = tpu.memref_slice %arg6[%dma_start3A_18, %dma_start3A_19] : memref<2048x32xf32, #tpu.memory_space<vmem>> -> memref<128x32xf32, #tpu.memory_space<vmem>>
    %dma_start3A_21 = arith.constant 256 : i32
    %dma_start3A_22 = tpu.memref_slice %arg5[%dma_start3A_21] : memref<2048xi32, #tpu.memory_space<vmem>> -> memref<128xi32, #tpu.memory_space<vmem>>
    %dma_start3A_23 = arith.constant 0 : i32
    %dma_start3A_24 = arith.constant 0 : i32
    %dma_start3A_25 = tpu.memref_slice %arg2[%dma_start3A_23, %dma_start3A_24] : memref<16384x32xf32, #tpu.memory_space<hbm>> -> memref<16384x32xf32, #tpu.memory_space<hbm>>
    tpu.enqueue_indirect_dma source(%dma_start3A_25 : memref<16384x32xf32, #tpu.memory_space<hbm>>) target(%dma_start3A_20 : memref<128x32xf32, #tpu.memory_space<vmem>>) offsets(%dma_start3A_22 : memref<128xi32, #tpu.memory_space<vmem>>) semaphore(%arg7 : memref<!tpu.dma_semaphore, #tpu.memory_space<semaphore_mem>>)
    %dma_start3A_26 = arith.constant 384 : i32
    %dma_start3A_27 = arith.constant 0 : i32
    %dma_start3A_28 = tpu.memref_slice %arg6[%dma_start3A_26, %dma_start3A_27] : memref<2048x32xf32, #tpu.memory_space<vmem>> -> memref<128x32xf32, #tpu.memory_space<vmem>>
    %dma_start3A_29 = arith.constant 384 : i32
    %dma_start3A_30 = tpu.memref_slice %arg5[%dma_start3A_29] : memref<2048xi32, #tpu.memory_space<vmem>> -> memref<128xi32, #tpu.memory_space<vmem>>
    %dma_start3A_31 = arith.constant 0 : i32
    %dma_start3A_32 = arith.constant 0 : i32
    %dma_start3A_33 = tpu.memref_slice %arg2[%dma_start3A_31, %dma_start3A_32] : memref<16384x32xf32, #tpu.memory_space<hbm>> -> memref<16384x32xf32, #tpu.memory_space<hbm>>
    tpu.enqueue_indirect_dma source(%dma_start3A_33 : memref<16384x32xf32, #tpu.memory_space<hbm>>) target(%dma_start3A_28 : memref<128x32xf32, #tpu.memory_space<vmem>>) offsets(%dma_start3A_30 : memref<128xi32, #tpu.memory_space<vmem>>) semaphore(%arg7 : memref<!tpu.dma_semaphore, #tpu.memory_space<semaphore_mem>>)
    %dma_start3A_34 = arith.constant 512 : i32
    %dma_start3A_35 = arith.constant 0 : i32
    %dma_start3A_36 = tpu.memref_slice %arg6[%dma_start3A_34, %dma_start3A_35] : memref<2048x32xf32, #tpu.memory_space<vmem>> -> memref<128x32xf32, #tpu.memory_space<vmem>>
    %dma_start3A_37 = arith.constant 512 : i32
    %dma_start3A_38 = tpu.memref_slice %arg5[%dma_start3A_37] : memref<2048xi32, #tpu.memory_space<vmem>> -> memref<128xi32, #tpu.memory_space<vmem>>
    %dma_start3A_39 = arith.constant 0 : i32
    %dma_start3A_40 = arith.constant 0 : i32
    %dma_start3A_41 = tpu.memref_slice %arg2[%dma_start3A_39, %dma_start3A_40] : memref<16384x32xf32, #tpu.memory_space<hbm>> -> memref<16384x32xf32, #tpu.memory_space<hbm>>
    tpu.enqueue_indirect_dma source(%dma_start3A_41 : memref<16384x32xf32, #tpu.memory_space<hbm>>) target(%dma_start3A_36 : memref<128x32xf32, #tpu.memory_space<vmem>>) offsets(%dma_start3A_38 : memref<128xi32, #tpu.memory_space<vmem>>) semaphore(%arg7 : memref<!tpu.dma_semaphore, #tpu.memory_space<semaphore_mem>>)
    %dma_start3A_42 = arith.constant 640 : i32
    %dma_start3A_43 = arith.constant 0 : i32
    %dma_start3A_44 = tpu.memref_slice %arg6[%dma_start3A_42, %dma_start3A_43] : memref<2048x32xf32, #tpu.memory_space<vmem>> -> memref<128x32xf32, #tpu.memory_space<vmem>>
    %dma_start3A_45 = arith.constant 640 : i32
    %dma_start3A_46 = tpu.memref_slice %arg5[%dma_start3A_45] : memref<2048xi32, #tpu.memory_space<vmem>> -> memref<128xi32, #tpu.memory_space<vmem>>
    %dma_start3A_47 = arith.constant 0 : i32
    %dma_start3A_48 = arith.constant 0 : i32
    %dma_start3A_49 = tpu.memref_slice %arg2[%dma_start3A_47, %dma_start3A_48] : memref<16384x32xf32, #tpu.memory_space<hbm>> -> memref<16384x32xf32, #tpu.memory_space<hbm>>
    tpu.enqueue_indirect_dma source(%dma_start3A_49 : memref<16384x32xf32, #tpu.memory_space<hbm>>) target(%dma_start3A_44 : memref<128x32xf32, #tpu.memory_space<vmem>>) offsets(%dma_start3A_46 : memref<128xi32, #tpu.memory_space<vmem>>) semaphore(%arg7 : memref<!tpu.dma_semaphore, #tpu.memory_space<semaphore_mem>>)
    %dma_start3A_50 = arith.constant 768 : i32
    %dma_start3A_51 = arith.constant 0 : i32
    %dma_start3A_52 = tpu.memref_slice %arg6[%dma_start3A_50, %dma_start3A_51] : memref<2048x32xf32, #tpu.memory_space<vmem>> -> memref<128x32xf32, #tpu.memory_space<vmem>>
    %dma_start3A_53 = arith.constant 768 : i32
    %dma_start3A_54 = tpu.memref_slice %arg5[%dma_start3A_53] : memref<2048xi32, #tpu.memory_space<vmem>> -> memref<128xi32, #tpu.memory_space<vmem>>
    %dma_start3A_55 = arith.constant 0 : i32
    %dma_start3A_56 = arith.constant 0 : i32
    %dma_start3A_57 = tpu.memref_slice %arg2[%dma_start3A_55, %dma_start3A_56] : memref<16384x32xf32, #tpu.memory_space<hbm>> -> memref<16384x32xf32, #tpu.memory_space<hbm>>
    tpu.enqueue_indirect_dma source(%dma_start3A_57 : memref<16384x32xf32, #tpu.memory_space<hbm>>) target(%dma_start3A_52 : memref<128x32xf32, #tpu.memory_space<vmem>>) offsets(%dma_start3A_54 : memref<128xi32, #tpu.memory_space<vmem>>) semaphore(%arg7 : memref<!tpu.dma_semaphore, #tpu.memory_space<semaphore_mem>>)
    %dma_start3A_58 = arith.constant 896 : i32
    %dma_start3A_59 = arith.constant 0 : i32
    %dma_start3A_60 = tpu.memref_slice %arg6[%dma_start3A_58, %dma_start3A_59] : memref<2048x32xf32, #tpu.memory_space<vmem>> -> memref<128x32xf32, #tpu.memory_space<vmem>>
    %dma_start3A_61 = arith.constant 896 : i32
    %dma_start3A_62 = tpu.memref_slice %arg5[%dma_start3A_61] : memref<2048xi32, #tpu.memory_space<vmem>> -> memref<128xi32, #tpu.memory_space<vmem>>
    %dma_start3A_63 = arith.constant 0 : i32
    %dma_start3A_64 = arith.constant 0 : i32
    %dma_start3A_65 = tpu.memref_slice %arg2[%dma_start3A_63, %dma_start3A_64] : memref<16384x32xf32, #tpu.memory_space<hbm>> -> memref<16384x32xf32, #tpu.memory_space<hbm>>
    tpu.enqueue_indirect_dma source(%dma_start3A_65 : memref<16384x32xf32, #tpu.memory_space<hbm>>) target(%dma_start3A_60 : memref<128x32xf32, #tpu.memory_space<vmem>>) offsets(%dma_start3A_62 : memref<128xi32, #tpu.memory_space<vmem>>) semaphore(%arg7 : memref<!tpu.dma_semaphore, #tpu.memory_space<semaphore_mem>>)
    %dma_start3A_66 = arith.constant 1024 : i32
    %dma_start3A_67 = arith.constant 0 : i32
    %dma_start3A_68 = tpu.memref_slice %arg6[%dma_start3A_66, %dma_start3A_67] : memref<2048x32xf32, #tpu.memory_space<vmem>> -> memref<128x32xf32, #tpu.memory_space<vmem>>
    %dma_start3A_69 = arith.constant 1024 : i32
    %dma_start3A_70 = tpu.memref_slice %arg5[%dma_start3A_69] : memref<2048xi32, #tpu.memory_space<vmem>> -> memref<128xi32, #tpu.memory_space<vmem>>
    %dma_start3A_71 = arith.constant 0 : i32
    %dma_start3A_72 = arith.constant 0 : i32
    %dma_start3A_73 = tpu.memref_slice %arg2[%dma_start3A_71, %dma_start3A_72] : memref<16384x32xf32, #tpu.memory_space<hbm>> -> memref<16384x32xf32, #tpu.memory_space<hbm>>
    tpu.enqueue_indirect_dma source(%dma_start3A_73 : memref<16384x32xf32, #tpu.memory_space<hbm>>) target(%dma_start3A_68 : memref<128x32xf32, #tpu.memory_space<vmem>>) offsets(%dma_start3A_70 : memref<128xi32, #tpu.memory_space<vmem>>) semaphore(%arg7 : memref<!tpu.dma_semaphore, #tpu.memory_space<semaphore_mem>>)
    %dma_start3A_74 = arith.constant 1152 : i32
    %dma_start3A_75 = arith.constant 0 : i32
    %dma_start3A_76 = tpu.memref_slice %arg6[%dma_start3A_74, %dma_start3A_75] : memref<2048x32xf32, #tpu.memory_space<vmem>> -> memref<128x32xf32, #tpu.memory_space<vmem>>
    %dma_start3A_77 = arith.constant 1152 : i32
    %dma_start3A_78 = tpu.memref_slice %arg5[%dma_start3A_77] : memref<2048xi32, #tpu.memory_space<vmem>> -> memref<128xi32, #tpu.memory_space<vmem>>
    %dma_start3A_79 = arith.constant 0 : i32
    %dma_start3A_80 = arith.constant 0 : i32
    %dma_start3A_81 = tpu.memref_slice %arg2[%dma_start3A_79, %dma_start3A_80] : memref<16384x32xf32, #tpu.memory_space<hbm>> -> memref<16384x32xf32, #tpu.memory_space<hbm>>
    tpu.enqueue_indirect_dma source(%dma_start3A_81 : memref<16384x32xf32, #tpu.memory_space<hbm>>) target(%dma_start3A_76 : memref<128x32xf32, #tpu.memory_space<vmem>>) offsets(%dma_start3A_78 : memref<128xi32, #tpu.memory_space<vmem>>) semaphore(%arg7 : memref<!tpu.dma_semaphore, #tpu.memory_space<semaphore_mem>>)
    %dma_start3A_82 = arith.constant 1280 : i32
    %dma_start3A_83 = arith.constant 0 : i32
    %dma_start3A_84 = tpu.memref_slice %arg6[%dma_start3A_82, %dma_start3A_83] : memref<2048x32xf32, #tpu.memory_space<vmem>> -> memref<128x32xf32, #tpu.memory_space<vmem>>
    %dma_start3A_85 = arith.constant 1280 : i32
    %dma_start3A_86 = tpu.memref_slice %arg5[%dma_start3A_85] : memref<2048xi32, #tpu.memory_space<vmem>> -> memref<128xi32, #tpu.memory_space<vmem>>
    %dma_start3A_87 = arith.constant 0 : i32
    %dma_start3A_88 = arith.constant 0 : i32
    %dma_start3A_89 = tpu.memref_slice %arg2[%dma_start3A_87, %dma_start3A_88] : memref<16384x32xf32, #tpu.memory_space<hbm>> -> memref<16384x32xf32, #tpu.memory_space<hbm>>
    tpu.enqueue_indirect_dma source(%dma_start3A_89 : memref<16384x32xf32, #tpu.memory_space<hbm>>) target(%dma_start3A_84 : memref<128x32xf32, #tpu.memory_space<vmem>>) offsets(%dma_start3A_86 : memref<128xi32, #tpu.memory_space<vmem>>) semaphore(%arg7 : memref<!tpu.dma_semaphore, #tpu.memory_space<semaphore_mem>>)
    %dma_start3A_90 = arith.constant 1408 : i32
    %dma_start3A_91 = arith.constant 0 : i32
    %dma_start3A_92 = tpu.memref_slice %arg6[%dma_start3A_90, %dma_start3A_91] : memref<2048x32xf32, #tpu.memory_space<vmem>> -> memref<128x32xf32, #tpu.memory_space<vmem>>
    %dma_start3A_93 = arith.constant 1408 : i32
    %dma_start3A_94 = tpu.memref_slice %arg5[%dma_start3A_93] : memref<2048xi32, #tpu.memory_space<vmem>> -> memref<128xi32, #tpu.memory_space<vmem>>
    %dma_start3A_95 = arith.constant 0 : i32
    %dma_start3A_96 = arith.constant 0 : i32
    %dma_start3A_97 = tpu.memref_slice %arg2[%dma_start3A_95, %dma_start3A_96] : memref<16384x32xf32, #tpu.memory_space<hbm>> -> memref<16384x32xf32, #tpu.memory_space<hbm>>
    tpu.enqueue_indirect_dma source(%dma_start3A_97 : memref<16384x32xf32, #tpu.memory_space<hbm>>) target(%dma_start3A_92 : memref<128x32xf32, #tpu.memory_space<vmem>>) offsets(%dma_start3A_94 : memref<128xi32, #tpu.memory_space<vmem>>) semaphore(%arg7 : memref<!tpu.dma_semaphore, #tpu.memory_space<semaphore_mem>>)
    %dma_start3A_98 = arith.constant 1536 : i32
    %dma_start3A_99 = arith.constant 0 : i32
    %dma_start3A_100 = tpu.memref_slice %arg6[%dma_start3A_98, %dma_start3A_99] : memref<2048x32xf32, #tpu.memory_space<vmem>> -> memref<128x32xf32, #tpu.memory_space<vmem>>
    %dma_start3A_101 = arith.constant 1536 : i32
    %dma_start3A_102 = tpu.memref_slice %arg5[%dma_start3A_101] : memref<2048xi32, #tpu.memory_space<vmem>> -> memref<128xi32, #tpu.memory_space<vmem>>
    %dma_start3A_103 = arith.constant 0 : i32
    %dma_start3A_104 = arith.constant 0 : i32
    %dma_start3A_105 = tpu.memref_slice %arg2[%dma_start3A_103, %dma_start3A_104] : memref<16384x32xf32, #tpu.memory_space<hbm>> -> memref<16384x32xf32, #tpu.memory_space<hbm>>
    tpu.enqueue_indirect_dma source(%dma_start3A_105 : memref<16384x32xf32, #tpu.memory_space<hbm>>) target(%dma_start3A_100 : memref<128x32xf32, #tpu.memory_space<vmem>>) offsets(%dma_start3A_102 : memref<128xi32, #tpu.memory_space<vmem>>) semaphore(%arg7 : memref<!tpu.dma_semaphore, #tpu.memory_space<semaphore_mem>>)
    %dma_start3A_106 = arith.constant 1664 : i32
    %dma_start3A_107 = arith.constant 0 : i32
    %dma_start3A_108 = tpu.memref_slice %arg6[%dma_start3A_106, %dma_start3A_107] : memref<2048x32xf32, #tpu.memory_space<vmem>> -> memref<128x32xf32, #tpu.memory_space<vmem>>
    %dma_start3A_109 = arith.constant 1664 : i32
    %dma_start3A_110 = tpu.memref_slice %arg5[%dma_start3A_109] : memref<2048xi32, #tpu.memory_space<vmem>> -> memref<128xi32, #tpu.memory_space<vmem>>
    %dma_start3A_111 = arith.constant 0 : i32
    %dma_start3A_112 = arith.constant 0 : i32
    %dma_start3A_113 = tpu.memref_slice %arg2[%dma_start3A_111, %dma_start3A_112] : memref<16384x32xf32, #tpu.memory_space<hbm>> -> memref<16384x32xf32, #tpu.memory_space<hbm>>
    tpu.enqueue_indirect_dma source(%dma_start3A_113 : memref<16384x32xf32, #tpu.memory_space<hbm>>) target(%dma_start3A_108 : memref<128x32xf32, #tpu.memory_space<vmem>>) offsets(%dma_start3A_110 : memref<128xi32, #tpu.memory_space<vmem>>) semaphore(%arg7 : memref<!tpu.dma_semaphore, #tpu.memory_space<semaphore_mem>>)
    %dma_start3A_114 = arith.constant 1792 : i32
    %dma_start3A_115 = arith.constant 0 : i32
    %dma_start3A_116 = tpu.memref_slice %arg6[%dma_start3A_114, %dma_start3A_115] : memref<2048x32xf32, #tpu.memory_space<vmem>> -> memref<128x32xf32, #tpu.memory_space<vmem>>
    %dma_start3A_117 = arith.constant 1792 : i32
    %dma_start3A_118 = tpu.memref_slice %arg5[%dma_start3A_117] : memref<2048xi32, #tpu.memory_space<vmem>> -> memref<128xi32, #tpu.memory_space<vmem>>
    %dma_start3A_119 = arith.constant 0 : i32
    %dma_start3A_120 = arith.constant 0 : i32
    %dma_start3A_121 = tpu.memref_slice %arg2[%dma_start3A_119, %dma_start3A_120] : memref<16384x32xf32, #tpu.memory_space<hbm>> -> memref<16384x32xf32, #tpu.memory_space<hbm>>
    tpu.enqueue_indirect_dma source(%dma_start3A_121 : memref<16384x32xf32, #tpu.memory_space<hbm>>) target(%dma_start3A_116 : memref<128x32xf32, #tpu.memory_space<vmem>>) offsets(%dma_start3A_118 : memref<128xi32, #tpu.memory_space<vmem>>) semaphore(%arg7 : memref<!tpu.dma_semaphore, #tpu.memory_space<semaphore_mem>>)
    %dma_start3A_122 = arith.constant 1920 : i32
    %dma_start3A_123 = arith.constant 0 : i32
    %dma_start3A_124 = tpu.memref_slice %arg6[%dma_start3A_122, %dma_start3A_123] : memref<2048x32xf32, #tpu.memory_space<vmem>> -> memref<128x32xf32, #tpu.memory_space<vmem>>
    %dma_start3A_125 = arith.constant 1920 : i32
    %dma_start3A_126 = tpu.memref_slice %arg5[%dma_start3A_125] : memref<2048xi32, #tpu.memory_space<vmem>> -> memref<128xi32, #tpu.memory_space<vmem>>
    %dma_start3A_127 = arith.constant 0 : i32
    %dma_start3A_128 = arith.constant 0 : i32
    %dma_start3A_129 = tpu.memref_slice %arg2[%dma_start3A_127, %dma_start3A_128] : memref<16384x32xf32, #tpu.memory_space<hbm>> -> memref<16384x32xf32, #tpu.memory_space<hbm>>
    tpu.enqueue_indirect_dma source(%dma_start3A_129 : memref<16384x32xf32, #tpu.memory_space<hbm>>) target(%dma_start3A_124 : memref<128x32xf32, #tpu.memory_space<vmem>>) offsets(%dma_start3A_126 : memref<128xi32, #tpu.memory_space<vmem>>) semaphore(%arg7 : memref<!tpu.dma_semaphore, #tpu.memory_space<semaphore_mem>>)
    %dma_wait3A = arith.constant 0 : i32
    %dma_wait3A_130 = arith.constant 0 : i32
    %dma_wait3A_131 = tpu.memref_slice %arg6[%dma_wait3A, %dma_wait3A_130] : memref<2048x32xf32, #tpu.memory_space<vmem>> -> memref<128x32xf32, #tpu.memory_space<vmem>>
    %dma_wait3A_132 = arith.constant 0 : i32
    %dma_wait3A_133 = tpu.memref_slice %arg5[%dma_wait3A_132] : memref<2048xi32, #tpu.memory_space<vmem>> -> memref<128xi32, #tpu.memory_space<vmem>>
    %dma_wait3A_134 = arith.constant 0 : i32
    %dma_wait3A_135 = arith.constant 0 : i32
    %dma_wait3A_136 = tpu.memref_slice %arg2[%dma_wait3A_134, %dma_wait3A_135] : memref<16384x32xf32, #tpu.memory_space<hbm>> -> memref<16384x32xf32, #tpu.memory_space<hbm>>
    tpu.wait_indirect_dma semaphore(%arg7 : memref<!tpu.dma_semaphore, #tpu.memory_space<semaphore_mem>>) src(%dma_wait3A_136 : memref<16384x32xf32, #tpu.memory_space<hbm>>) dst(%dma_wait3A_131 : memref<128x32xf32, #tpu.memory_space<vmem>>)
    %add3A_137 = arith.constant 0 : i32
    %add3A_138 = arith.addi %mul3A_2, %add3A_137 : i32
    %dma_start3A_139 = arith.constant 0 : i32
    %dma_start3A_140 = arith.constant 0 : i32
    %dma_start3A_141 = tpu.memref_slice %arg6[%dma_start3A_139, %dma_start3A_140] : memref<2048x32xf32, #tpu.memory_space<vmem>> -> memref<128x32xf32, #tpu.memory_space<vmem>>
    %dma_start3A_142 = arith.constant 0 : i32
    %dma_start3A_143 = tpu.memref_slice %arg4[%add3A_138, %dma_start3A_142] : memref<65536x32xf32, #tpu.memory_space<hbm>> -> memref<128x32xf32, #tpu.memory_space<hbm>>
    %dma_start3A_144 = arith.constant 0 : i32
    %dma_start3A_145 = tpu.memref_slice %arg4[%add3A_138, %dma_start3A_144] : memref<65536x32xf32, #tpu.memory_space<hbm>> -> memref<128x32xf32, #tpu.memory_space<hbm>>
    %dma_start3A_146 = arith.constant 0 : i32
    %dma_start3A_147 = arith.constant 0 : i32
    %dma_start3A_148 = tpu.memref_slice %arg6[%dma_start3A_146, %dma_start3A_147] : memref<2048x32xf32, #tpu.memory_space<vmem>> -> memref<128x32xf32, #tpu.memory_space<vmem>>
    tpu.enqueue_dma source(%dma_start3A_148 : memref<128x32xf32, #tpu.memory_space<vmem>>) target(%dma_start3A_145 : memref<128x32xf32, #tpu.memory_space<hbm>>) target_semaphore(%arg8 : memref<!tpu.dma_semaphore, #tpu.memory_space<semaphore_mem>>)
    %dma_wait3A_149 = arith.constant 128 : i32
    %dma_wait3A_150 = arith.constant 0 : i32
    %dma_wait3A_151 = tpu.memref_slice %arg6[%dma_wait3A_149, %dma_wait3A_150] : memref<2048x32xf32, #tpu.memory_space<vmem>> -> memref<128x32xf32, #tpu.memory_space<vmem>>
    %dma_wait3A_152 = arith.constant 128 : i32
    %dma_wait3A_153 = tpu.memref_slice %arg5[%dma_wait3A_152] : memref<2048xi32, #tpu.memory_space<vmem>> -> memref<128xi32, #tpu.memory_space<vmem>>
    %dma_wait3A_154 = arith.constant 0 : i32
    %dma_wait3A_155 = arith.constant 0 : i32
    %dma_wait3A_156 = tpu.memref_slice %arg2[%dma_wait3A_154, %dma_wait3A_155] : memref<16384x32xf32, #tpu.memory_space<hbm>> -> memref<16384x32xf32, #tpu.memory_space<hbm>>
    tpu.wait_indirect_dma semaphore(%arg7 : memref<!tpu.dma_semaphore, #tpu.memory_space<semaphore_mem>>) src(%dma_wait3A_156 : memref<16384x32xf32, #tpu.memory_space<hbm>>) dst(%dma_wait3A_151 : memref<128x32xf32, #tpu.memory_space<vmem>>)
    %add3A_157 = arith.constant 128 : i32
    %add3A_158 = arith.addi %mul3A_2, %add3A_157 : i32
    %dma_start3A_159 = arith.constant 128 : i32
    %dma_start3A_160 = arith.constant 0 : i32
    %dma_start3A_161 = tpu.memref_slice %arg6[%dma_start3A_159, %dma_start3A_160] : memref<2048x32xf32, #tpu.memory_space<vmem>> -> memref<128x32xf32, #tpu.memory_space<vmem>>
    %dma_start3A_162 = arith.constant 0 : i32
    %dma_start3A_163 = tpu.memref_slice %arg4[%add3A_158, %dma_start3A_162] : memref<65536x32xf32, #tpu.memory_space<hbm>> -> memref<128x32xf32, #tpu.memory_space<hbm>>
    %dma_start3A_164 = arith.constant 0 : i32
    %dma_start3A_165 = tpu.memref_slice %arg4[%add3A_158, %dma_start3A_164] : memref<65536x32xf32, #tpu.memory_space<hbm>> -> memref<128x32xf32, #tpu.memory_space<hbm>>
    %dma_start3A_166 = arith.constant 128 : i32
    %dma_start3A_167 = arith.constant 0 : i32
    %dma_start3A_168 = tpu.memref_slice %arg6[%dma_start3A_166, %dma_start3A_167] : memref<2048x32xf32, #tpu.memory_space<vmem>> -> memref<128x32xf32, #tpu.memory_space<vmem>>
    tpu.enqueue_dma source(%dma_start3A_168 : memref<128x32xf32, #tpu.memory_space<vmem>>) target(%dma_start3A_165 : memref<128x32xf32, #tpu.memory_space<hbm>>) target_semaphore(%arg8 : memref<!tpu.dma_semaphore, #tpu.memory_space<semaphore_mem>>)
    %dma_wait3A_169 = arith.constant 256 : i32
    %dma_wait3A_170 = arith.constant 0 : i32
    %dma_wait3A_171 = tpu.memref_slice %arg6[%dma_wait3A_169, %dma_wait3A_170] : memref<2048x32xf32, #tpu.memory_space<vmem>> -> memref<128x32xf32, #tpu.memory_space<vmem>>
    %dma_wait3A_172 = arith.constant 256 : i32
    %dma_wait3A_173 = tpu.memref_slice %arg5[%dma_wait3A_172] : memref<2048xi32, #tpu.memory_space<vmem>> -> memref<128xi32, #tpu.memory_space<vmem>>
    %dma_wait3A_174 = arith.constant 0 : i32
    %dma_wait3A_175 = arith.constant 0 : i32
    %dma_wait3A_176 = tpu.memref_slice %arg2[%dma_wait3A_174, %dma_wait3A_175] : memref<16384x32xf32, #tpu.memory_space<hbm>> -> memref<16384x32xf32, #tpu.memory_space<hbm>>
    tpu.wait_indirect_dma semaphore(%arg7 : memref<!tpu.dma_semaphore, #tpu.memory_space<semaphore_mem>>) src(%dma_wait3A_176 : memref<16384x32xf32, #tpu.memory_space<hbm>>) dst(%dma_wait3A_171 : memref<128x32xf32, #tpu.memory_space<vmem>>)
    %add3A_177 = arith.constant 256 : i32
    %add3A_178 = arith.addi %mul3A_2, %add3A_177 : i32
    %dma_start3A_179 = arith.constant 256 : i32
    %dma_start3A_180 = arith.constant 0 : i32
    %dma_start3A_181 = tpu.memref_slice %arg6[%dma_start3A_179, %dma_start3A_180] : memref<2048x32xf32, #tpu.memory_space<vmem>> -> memref<128x32xf32, #tpu.memory_space<vmem>>
    %dma_start3A_182 = arith.constant 0 : i32
    %dma_start3A_183 = tpu.memref_slice %arg4[%add3A_178, %dma_start3A_182] : memref<65536x32xf32, #tpu.memory_space<hbm>> -> memref<128x32xf32, #tpu.memory_space<hbm>>
    %dma_start3A_184 = arith.constant 0 : i32
    %dma_start3A_185 = tpu.memref_slice %arg4[%add3A_178, %dma_start3A_184] : memref<65536x32xf32, #tpu.memory_space<hbm>> -> memref<128x32xf32, #tpu.memory_space<hbm>>
    %dma_start3A_186 = arith.constant 256 : i32
    %dma_start3A_187 = arith.constant 0 : i32
    %dma_start3A_188 = tpu.memref_slice %arg6[%dma_start3A_186, %dma_start3A_187] : memref<2048x32xf32, #tpu.memory_space<vmem>> -> memref<128x32xf32, #tpu.memory_space<vmem>>
    tpu.enqueue_dma source(%dma_start3A_188 : memref<128x32xf32, #tpu.memory_space<vmem>>) target(%dma_start3A_185 : memref<128x32xf32, #tpu.memory_space<hbm>>) target_semaphore(%arg8 : memref<!tpu.dma_semaphore, #tpu.memory_space<semaphore_mem>>)
    %dma_wait3A_189 = arith.constant 384 : i32
    %dma_wait3A_190 = arith.constant 0 : i32
    %dma_wait3A_191 = tpu.memref_slice %arg6[%dma_wait3A_189, %dma_wait3A_190] : memref<2048x32xf32, #tpu.memory_space<vmem>> -> memref<128x32xf32, #tpu.memory_space<vmem>>
    %dma_wait3A_192 = arith.constant 384 : i32
    %dma_wait3A_193 = tpu.memref_slice %arg5[%dma_wait3A_192] : memref<2048xi32, #tpu.memory_space<vmem>> -> memref<128xi32, #tpu.memory_space<vmem>>
    %dma_wait3A_194 = arith.constant 0 : i32
    %dma_wait3A_195 = arith.constant 0 : i32
    %dma_wait3A_196 = tpu.memref_slice %arg2[%dma_wait3A_194, %dma_wait3A_195] : memref<16384x32xf32, #tpu.memory_space<hbm>> -> memref<16384x32xf32, #tpu.memory_space<hbm>>
    tpu.wait_indirect_dma semaphore(%arg7 : memref<!tpu.dma_semaphore, #tpu.memory_space<semaphore_mem>>) src(%dma_wait3A_196 : memref<16384x32xf32, #tpu.memory_space<hbm>>) dst(%dma_wait3A_191 : memref<128x32xf32, #tpu.memory_space<vmem>>)
    %add3A_197 = arith.constant 384 : i32
    %add3A_198 = arith.addi %mul3A_2, %add3A_197 : i32
    %dma_start3A_199 = arith.constant 384 : i32
    %dma_start3A_200 = arith.constant 0 : i32
    %dma_start3A_201 = tpu.memref_slice %arg6[%dma_start3A_199, %dma_start3A_200] : memref<2048x32xf32, #tpu.memory_space<vmem>> -> memref<128x32xf32, #tpu.memory_space<vmem>>
    %dma_start3A_202 = arith.constant 0 : i32
    %dma_start3A_203 = tpu.memref_slice %arg4[%add3A_198, %dma_start3A_202] : memref<65536x32xf32, #tpu.memory_space<hbm>> -> memref<128x32xf32, #tpu.memory_space<hbm>>
    %dma_start3A_204 = arith.constant 0 : i32
    %dma_start3A_205 = tpu.memref_slice %arg4[%add3A_198, %dma_start3A_204] : memref<65536x32xf32, #tpu.memory_space<hbm>> -> memref<128x32xf32, #tpu.memory_space<hbm>>
    %dma_start3A_206 = arith.constant 384 : i32
    %dma_start3A_207 = arith.constant 0 : i32
    %dma_start3A_208 = tpu.memref_slice %arg6[%dma_start3A_206, %dma_start3A_207] : memref<2048x32xf32, #tpu.memory_space<vmem>> -> memref<128x32xf32, #tpu.memory_space<vmem>>
    tpu.enqueue_dma source(%dma_start3A_208 : memref<128x32xf32, #tpu.memory_space<vmem>>) target(%dma_start3A_205 : memref<128x32xf32, #tpu.memory_space<hbm>>) target_semaphore(%arg8 : memref<!tpu.dma_semaphore, #tpu.memory_space<semaphore_mem>>)
    %dma_wait3A_209 = arith.constant 512 : i32
    %dma_wait3A_210 = arith.constant 0 : i32
    %dma_wait3A_211 = tpu.memref_slice %arg6[%dma_wait3A_209, %dma_wait3A_210] : memref<2048x32xf32, #tpu.memory_space<vmem>> -> memref<128x32xf32, #tpu.memory_space<vmem>>
    %dma_wait3A_212 = arith.constant 512 : i32
    %dma_wait3A_213 = tpu.memref_slice %arg5[%dma_wait3A_212] : memref<2048xi32, #tpu.memory_space<vmem>> -> memref<128xi32, #tpu.memory_space<vmem>>
    %dma_wait3A_214 = arith.constant 0 : i32
    %dma_wait3A_215 = arith.constant 0 : i32
    %dma_wait3A_216 = tpu.memref_slice %arg2[%dma_wait3A_214, %dma_wait3A_215] : memref<16384x32xf32, #tpu.memory_space<hbm>> -> memref<16384x32xf32, #tpu.memory_space<hbm>>
    tpu.wait_indirect_dma semaphore(%arg7 : memref<!tpu.dma_semaphore, #tpu.memory_space<semaphore_mem>>) src(%dma_wait3A_216 : memref<16384x32xf32, #tpu.memory_space<hbm>>) dst(%dma_wait3A_211 : memref<128x32xf32, #tpu.memory_space<vmem>>)
    %add3A_217 = arith.constant 512 : i32
    %add3A_218 = arith.addi %mul3A_2, %add3A_217 : i32
    %dma_start3A_219 = arith.constant 512 : i32
    %dma_start3A_220 = arith.constant 0 : i32
    %dma_start3A_221 = tpu.memref_slice %arg6[%dma_start3A_219, %dma_start3A_220] : memref<2048x32xf32, #tpu.memory_space<vmem>> -> memref<128x32xf32, #tpu.memory_space<vmem>>
    %dma_start3A_222 = arith.constant 0 : i32
    %dma_start3A_223 = tpu.memref_slice %arg4[%add3A_218, %dma_start3A_222] : memref<65536x32xf32, #tpu.memory_space<hbm>> -> memref<128x32xf32, #tpu.memory_space<hbm>>
    %dma_start3A_224 = arith.constant 0 : i32
    %dma_start3A_225 = tpu.memref_slice %arg4[%add3A_218, %dma_start3A_224] : memref<65536x32xf32, #tpu.memory_space<hbm>> -> memref<128x32xf32, #tpu.memory_space<hbm>>
    %dma_start3A_226 = arith.constant 512 : i32
    %dma_start3A_227 = arith.constant 0 : i32
    %dma_start3A_228 = tpu.memref_slice %arg6[%dma_start3A_226, %dma_start3A_227] : memref<2048x32xf32, #tpu.memory_space<vmem>> -> memref<128x32xf32, #tpu.memory_space<vmem>>
    tpu.enqueue_dma source(%dma_start3A_228 : memref<128x32xf32, #tpu.memory_space<vmem>>) target(%dma_start3A_225 : memref<128x32xf32, #tpu.memory_space<hbm>>) target_semaphore(%arg8 : memref<!tpu.dma_semaphore, #tpu.memory_space<semaphore_mem>>)
    %dma_wait3A_229 = arith.constant 640 : i32
    %dma_wait3A_230 = arith.constant 0 : i32
    %dma_wait3A_231 = tpu.memref_slice %arg6[%dma_wait3A_229, %dma_wait3A_230] : memref<2048x32xf32, #tpu.memory_space<vmem>> -> memref<128x32xf32, #tpu.memory_space<vmem>>
    %dma_wait3A_232 = arith.constant 640 : i32
    %dma_wait3A_233 = tpu.memref_slice %arg5[%dma_wait3A_232] : memref<2048xi32, #tpu.memory_space<vmem>> -> memref<128xi32, #tpu.memory_space<vmem>>
    %dma_wait3A_234 = arith.constant 0 : i32
    %dma_wait3A_235 = arith.constant 0 : i32
    %dma_wait3A_236 = tpu.memref_slice %arg2[%dma_wait3A_234, %dma_wait3A_235] : memref<16384x32xf32, #tpu.memory_space<hbm>> -> memref<16384x32xf32, #tpu.memory_space<hbm>>
    tpu.wait_indirect_dma semaphore(%arg7 : memref<!tpu.dma_semaphore, #tpu.memory_space<semaphore_mem>>) src(%dma_wait3A_236 : memref<16384x32xf32, #tpu.memory_space<hbm>>) dst(%dma_wait3A_231 : memref<128x32xf32, #tpu.memory_space<vmem>>)
    %add3A_237 = arith.constant 640 : i32
    %add3A_238 = arith.addi %mul3A_2, %add3A_237 : i32
    %dma_start3A_239 = arith.constant 640 : i32
    %dma_start3A_240 = arith.constant 0 : i32
    %dma_start3A_241 = tpu.memref_slice %arg6[%dma_start3A_239, %dma_start3A_240] : memref<2048x32xf32, #tpu.memory_space<vmem>> -> memref<128x32xf32, #tpu.memory_space<vmem>>
    %dma_start3A_242 = arith.constant 0 : i32
    %dma_start3A_243 = tpu.memref_slice %arg4[%add3A_238, %dma_start3A_242] : memref<65536x32xf32, #tpu.memory_space<hbm>> -> memref<128x32xf32, #tpu.memory_space<hbm>>
    %dma_start3A_244 = arith.constant 0 : i32
    %dma_start3A_245 = tpu.memref_slice %arg4[%add3A_238, %dma_start3A_244] : memref<65536x32xf32, #tpu.memory_space<hbm>> -> memref<128x32xf32, #tpu.memory_space<hbm>>
    %dma_start3A_246 = arith.constant 640 : i32
    %dma_start3A_247 = arith.constant 0 : i32
    %dma_start3A_248 = tpu.memref_slice %arg6[%dma_start3A_246, %dma_start3A_247] : memref<2048x32xf32, #tpu.memory_space<vmem>> -> memref<128x32xf32, #tpu.memory_space<vmem>>
    tpu.enqueue_dma source(%dma_start3A_248 : memref<128x32xf32, #tpu.memory_space<vmem>>) target(%dma_start3A_245 : memref<128x32xf32, #tpu.memory_space<hbm>>) target_semaphore(%arg8 : memref<!tpu.dma_semaphore, #tpu.memory_space<semaphore_mem>>)
    %dma_wait3A_249 = arith.constant 768 : i32
    %dma_wait3A_250 = arith.constant 0 : i32
    %dma_wait3A_251 = tpu.memref_slice %arg6[%dma_wait3A_249, %dma_wait3A_250] : memref<2048x32xf32, #tpu.memory_space<vmem>> -> memref<128x32xf32, #tpu.memory_space<vmem>>
    %dma_wait3A_252 = arith.constant 768 : i32
    %dma_wait3A_253 = tpu.memref_slice %arg5[%dma_wait3A_252] : memref<2048xi32, #tpu.memory_space<vmem>> -> memref<128xi32, #tpu.memory_space<vmem>>
    %dma_wait3A_254 = arith.constant 0 : i32
    %dma_wait3A_255 = arith.constant 0 : i32
    %dma_wait3A_256 = tpu.memref_slice %arg2[%dma_wait3A_254, %dma_wait3A_255] : memref<16384x32xf32, #tpu.memory_space<hbm>> -> memref<16384x32xf32, #tpu.memory_space<hbm>>
    tpu.wait_indirect_dma semaphore(%arg7 : memref<!tpu.dma_semaphore, #tpu.memory_space<semaphore_mem>>) src(%dma_wait3A_256 : memref<16384x32xf32, #tpu.memory_space<hbm>>) dst(%dma_wait3A_251 : memref<128x32xf32, #tpu.memory_space<vmem>>)
    %add3A_257 = arith.constant 768 : i32
    %add3A_258 = arith.addi %mul3A_2, %add3A_257 : i32
    %dma_start3A_259 = arith.constant 768 : i32
    %dma_start3A_260 = arith.constant 0 : i32
    %dma_start3A_261 = tpu.memref_slice %arg6[%dma_start3A_259, %dma_start3A_260] : memref<2048x32xf32, #tpu.memory_space<vmem>> -> memref<128x32xf32, #tpu.memory_space<vmem>>
    %dma_start3A_262 = arith.constant 0 : i32
    %dma_start3A_263 = tpu.memref_slice %arg4[%add3A_258, %dma_start3A_262] : memref<65536x32xf32, #tpu.memory_space<hbm>> -> memref<128x32xf32, #tpu.memory_space<hbm>>
    %dma_start3A_264 = arith.constant 0 : i32
    %dma_start3A_265 = tpu.memref_slice %arg4[%add3A_258, %dma_start3A_264] : memref<65536x32xf32, #tpu.memory_space<hbm>> -> memref<128x32xf32, #tpu.memory_space<hbm>>
    %dma_start3A_266 = arith.constant 768 : i32
    %dma_start3A_267 = arith.constant 0 : i32
    %dma_start3A_268 = tpu.memref_slice %arg6[%dma_start3A_266, %dma_start3A_267] : memref<2048x32xf32, #tpu.memory_space<vmem>> -> memref<128x32xf32, #tpu.memory_space<vmem>>
    tpu.enqueue_dma source(%dma_start3A_268 : memref<128x32xf32, #tpu.memory_space<vmem>>) target(%dma_start3A_265 : memref<128x32xf32, #tpu.memory_space<hbm>>) target_semaphore(%arg8 : memref<!tpu.dma_semaphore, #tpu.memory_space<semaphore_mem>>)
    %dma_wait3A_269 = arith.constant 896 : i32
    %dma_wait3A_270 = arith.constant 0 : i32
    %dma_wait3A_271 = tpu.memref_slice %arg6[%dma_wait3A_269, %dma_wait3A_270] : memref<2048x32xf32, #tpu.memory_space<vmem>> -> memref<128x32xf32, #tpu.memory_space<vmem>>
    %dma_wait3A_272 = arith.constant 896 : i32
    %dma_wait3A_273 = tpu.memref_slice %arg5[%dma_wait3A_272] : memref<2048xi32, #tpu.memory_space<vmem>> -> memref<128xi32, #tpu.memory_space<vmem>>
    %dma_wait3A_274 = arith.constant 0 : i32
    %dma_wait3A_275 = arith.constant 0 : i32
    %dma_wait3A_276 = tpu.memref_slice %arg2[%dma_wait3A_274, %dma_wait3A_275] : memref<16384x32xf32, #tpu.memory_space<hbm>> -> memref<16384x32xf32, #tpu.memory_space<hbm>>
    tpu.wait_indirect_dma semaphore(%arg7 : memref<!tpu.dma_semaphore, #tpu.memory_space<semaphore_mem>>) src(%dma_wait3A_276 : memref<16384x32xf32, #tpu.memory_space<hbm>>) dst(%dma_wait3A_271 : memref<128x32xf32, #tpu.memory_space<vmem>>)
    %add3A_277 = arith.constant 896 : i32
    %add3A_278 = arith.addi %mul3A_2, %add3A_277 : i32
    %dma_start3A_279 = arith.constant 896 : i32
    %dma_start3A_280 = arith.constant 0 : i32
    %dma_start3A_281 = tpu.memref_slice %arg6[%dma_start3A_279, %dma_start3A_280] : memref<2048x32xf32, #tpu.memory_space<vmem>> -> memref<128x32xf32, #tpu.memory_space<vmem>>
    %dma_start3A_282 = arith.constant 0 : i32
    %dma_start3A_283 = tpu.memref_slice %arg4[%add3A_278, %dma_start3A_282] : memref<65536x32xf32, #tpu.memory_space<hbm>> -> memref<128x32xf32, #tpu.memory_space<hbm>>
    %dma_start3A_284 = arith.constant 0 : i32
    %dma_start3A_285 = tpu.memref_slice %arg4[%add3A_278, %dma_start3A_284] : memref<65536x32xf32, #tpu.memory_space<hbm>> -> memref<128x32xf32, #tpu.memory_space<hbm>>
    %dma_start3A_286 = arith.constant 896 : i32
    %dma_start3A_287 = arith.constant 0 : i32
    %dma_start3A_288 = tpu.memref_slice %arg6[%dma_start3A_286, %dma_start3A_287] : memref<2048x32xf32, #tpu.memory_space<vmem>> -> memref<128x32xf32, #tpu.memory_space<vmem>>
    tpu.enqueue_dma source(%dma_start3A_288 : memref<128x32xf32, #tpu.memory_space<vmem>>) target(%dma_start3A_285 : memref<128x32xf32, #tpu.memory_space<hbm>>) target_semaphore(%arg8 : memref<!tpu.dma_semaphore, #tpu.memory_space<semaphore_mem>>)
    %dma_wait3A_289 = arith.constant 1024 : i32
    %dma_wait3A_290 = arith.constant 0 : i32
    %dma_wait3A_291 = tpu.memref_slice %arg6[%dma_wait3A_289, %dma_wait3A_290] : memref<2048x32xf32, #tpu.memory_space<vmem>> -> memref<128x32xf32, #tpu.memory_space<vmem>>
    %dma_wait3A_292 = arith.constant 1024 : i32
    %dma_wait3A_293 = tpu.memref_slice %arg5[%dma_wait3A_292] : memref<2048xi32, #tpu.memory_space<vmem>> -> memref<128xi32, #tpu.memory_space<vmem>>
    %dma_wait3A_294 = arith.constant 0 : i32
    %dma_wait3A_295 = arith.constant 0 : i32
    %dma_wait3A_296 = tpu.memref_slice %arg2[%dma_wait3A_294, %dma_wait3A_295] : memref<16384x32xf32, #tpu.memory_space<hbm>> -> memref<16384x32xf32, #tpu.memory_space<hbm>>
    tpu.wait_indirect_dma semaphore(%arg7 : memref<!tpu.dma_semaphore, #tpu.memory_space<semaphore_mem>>) src(%dma_wait3A_296 : memref<16384x32xf32, #tpu.memory_space<hbm>>) dst(%dma_wait3A_291 : memref<128x32xf32, #tpu.memory_space<vmem>>)
    %add3A_297 = arith.constant 1024 : i32
    %add3A_298 = arith.addi %mul3A_2, %add3A_297 : i32
    %dma_start3A_299 = arith.constant 1024 : i32
    %dma_start3A_300 = arith.constant 0 : i32
    %dma_start3A_301 = tpu.memref_slice %arg6[%dma_start3A_299, %dma_start3A_300] : memref<2048x32xf32, #tpu.memory_space<vmem>> -> memref<128x32xf32, #tpu.memory_space<vmem>>
    %dma_start3A_302 = arith.constant 0 : i32
    %dma_start3A_303 = tpu.memref_slice %arg4[%add3A_298, %dma_start3A_302] : memref<65536x32xf32, #tpu.memory_space<hbm>> -> memref<128x32xf32, #tpu.memory_space<hbm>>
    %dma_start3A_304 = arith.constant 0 : i32
    %dma_start3A_305 = tpu.memref_slice %arg4[%add3A_298, %dma_start3A_304] : memref<65536x32xf32, #tpu.memory_space<hbm>> -> memref<128x32xf32, #tpu.memory_space<hbm>>
    %dma_start3A_306 = arith.constant 1024 : i32
    %dma_start3A_307 = arith.constant 0 : i32
    %dma_start3A_308 = tpu.memref_slice %arg6[%dma_start3A_306, %dma_start3A_307] : memref<2048x32xf32, #tpu.memory_space<vmem>> -> memref<128x32xf32, #tpu.memory_space<vmem>>
    tpu.enqueue_dma source(%dma_start3A_308 : memref<128x32xf32, #tpu.memory_space<vmem>>) target(%dma_start3A_305 : memref<128x32xf32, #tpu.memory_space<hbm>>) target_semaphore(%arg8 : memref<!tpu.dma_semaphore, #tpu.memory_space<semaphore_mem>>)
    %dma_wait3A_309 = arith.constant 1152 : i32
    %dma_wait3A_310 = arith.constant 0 : i32
    %dma_wait3A_311 = tpu.memref_slice %arg6[%dma_wait3A_309, %dma_wait3A_310] : memref<2048x32xf32, #tpu.memory_space<vmem>> -> memref<128x32xf32, #tpu.memory_space<vmem>>
    %dma_wait3A_312 = arith.constant 1152 : i32
    %dma_wait3A_313 = tpu.memref_slice %arg5[%dma_wait3A_312] : memref<2048xi32, #tpu.memory_space<vmem>> -> memref<128xi32, #tpu.memory_space<vmem>>
    %dma_wait3A_314 = arith.constant 0 : i32
    %dma_wait3A_315 = arith.constant 0 : i32
    %dma_wait3A_316 = tpu.memref_slice %arg2[%dma_wait3A_314, %dma_wait3A_315] : memref<16384x32xf32, #tpu.memory_space<hbm>> -> memref<16384x32xf32, #tpu.memory_space<hbm>>
    tpu.wait_indirect_dma semaphore(%arg7 : memref<!tpu.dma_semaphore, #tpu.memory_space<semaphore_mem>>) src(%dma_wait3A_316 : memref<16384x32xf32, #tpu.memory_space<hbm>>) dst(%dma_wait3A_311 : memref<128x32xf32, #tpu.memory_space<vmem>>)
    %add3A_317 = arith.constant 1152 : i32
    %add3A_318 = arith.addi %mul3A_2, %add3A_317 : i32
    %dma_start3A_319 = arith.constant 1152 : i32
    %dma_start3A_320 = arith.constant 0 : i32
    %dma_start3A_321 = tpu.memref_slice %arg6[%dma_start3A_319, %dma_start3A_320] : memref<2048x32xf32, #tpu.memory_space<vmem>> -> memref<128x32xf32, #tpu.memory_space<vmem>>
    %dma_start3A_322 = arith.constant 0 : i32
    %dma_start3A_323 = tpu.memref_slice %arg4[%add3A_318, %dma_start3A_322] : memref<65536x32xf32, #tpu.memory_space<hbm>> -> memref<128x32xf32, #tpu.memory_space<hbm>>
    %dma_start3A_324 = arith.constant 0 : i32
    %dma_start3A_325 = tpu.memref_slice %arg4[%add3A_318, %dma_start3A_324] : memref<65536x32xf32, #tpu.memory_space<hbm>> -> memref<128x32xf32, #tpu.memory_space<hbm>>
    %dma_start3A_326 = arith.constant 1152 : i32
    %dma_start3A_327 = arith.constant 0 : i32
    %dma_start3A_328 = tpu.memref_slice %arg6[%dma_start3A_326, %dma_start3A_327] : memref<2048x32xf32, #tpu.memory_space<vmem>> -> memref<128x32xf32, #tpu.memory_space<vmem>>
    tpu.enqueue_dma source(%dma_start3A_328 : memref<128x32xf32, #tpu.memory_space<vmem>>) target(%dma_start3A_325 : memref<128x32xf32, #tpu.memory_space<hbm>>) target_semaphore(%arg8 : memref<!tpu.dma_semaphore, #tpu.memory_space<semaphore_mem>>)
    %dma_wait3A_329 = arith.constant 1280 : i32
    %dma_wait3A_330 = arith.constant 0 : i32
    %dma_wait3A_331 = tpu.memref_slice %arg6[%dma_wait3A_329, %dma_wait3A_330] : memref<2048x32xf32, #tpu.memory_space<vmem>> -> memref<128x32xf32, #tpu.memory_space<vmem>>
    %dma_wait3A_332 = arith.constant 1280 : i32
    %dma_wait3A_333 = tpu.memref_slice %arg5[%dma_wait3A_332] : memref<2048xi32, #tpu.memory_space<vmem>> -> memref<128xi32, #tpu.memory_space<vmem>>
    %dma_wait3A_334 = arith.constant 0 : i32
    %dma_wait3A_335 = arith.constant 0 : i32
    %dma_wait3A_336 = tpu.memref_slice %arg2[%dma_wait3A_334, %dma_wait3A_335] : memref<16384x32xf32, #tpu.memory_space<hbm>> -> memref<16384x32xf32, #tpu.memory_space<hbm>>
    tpu.wait_indirect_dma semaphore(%arg7 : memref<!tpu.dma_semaphore, #tpu.memory_space<semaphore_mem>>) src(%dma_wait3A_336 : memref<16384x32xf32, #tpu.memory_space<hbm>>) dst(%dma_wait3A_331 : memref<128x32xf32, #tpu.memory_space<vmem>>)
    %add3A_337 = arith.constant 1280 : i32
    %add3A_338 = arith.addi %mul3A_2, %add3A_337 : i32
    %dma_start3A_339 = arith.constant 1280 : i32
    %dma_start3A_340 = arith.constant 0 : i32
    %dma_start3A_341 = tpu.memref_slice %arg6[%dma_start3A_339, %dma_start3A_340] : memref<2048x32xf32, #tpu.memory_space<vmem>> -> memref<128x32xf32, #tpu.memory_space<vmem>>
    %dma_start3A_342 = arith.constant 0 : i32
    %dma_start3A_343 = tpu.memref_slice %arg4[%add3A_338, %dma_start3A_342] : memref<65536x32xf32, #tpu.memory_space<hbm>> -> memref<128x32xf32, #tpu.memory_space<hbm>>
    %dma_start3A_344 = arith.constant 0 : i32
    %dma_start3A_345 = tpu.memref_slice %arg4[%add3A_338, %dma_start3A_344] : memref<65536x32xf32, #tpu.memory_space<hbm>> -> memref<128x32xf32, #tpu.memory_space<hbm>>
    %dma_start3A_346 = arith.constant 1280 : i32
    %dma_start3A_347 = arith.constant 0 : i32
    %dma_start3A_348 = tpu.memref_slice %arg6[%dma_start3A_346, %dma_start3A_347] : memref<2048x32xf32, #tpu.memory_space<vmem>> -> memref<128x32xf32, #tpu.memory_space<vmem>>
    tpu.enqueue_dma source(%dma_start3A_348 : memref<128x32xf32, #tpu.memory_space<vmem>>) target(%dma_start3A_345 : memref<128x32xf32, #tpu.memory_space<hbm>>) target_semaphore(%arg8 : memref<!tpu.dma_semaphore, #tpu.memory_space<semaphore_mem>>)
    %dma_wait3A_349 = arith.constant 1408 : i32
    %dma_wait3A_350 = arith.constant 0 : i32
    %dma_wait3A_351 = tpu.memref_slice %arg6[%dma_wait3A_349, %dma_wait3A_350] : memref<2048x32xf32, #tpu.memory_space<vmem>> -> memref<128x32xf32, #tpu.memory_space<vmem>>
    %dma_wait3A_352 = arith.constant 1408 : i32
    %dma_wait3A_353 = tpu.memref_slice %arg5[%dma_wait3A_352] : memref<2048xi32, #tpu.memory_space<vmem>> -> memref<128xi32, #tpu.memory_space<vmem>>
    %dma_wait3A_354 = arith.constant 0 : i32
    %dma_wait3A_355 = arith.constant 0 : i32
    %dma_wait3A_356 = tpu.memref_slice %arg2[%dma_wait3A_354, %dma_wait3A_355] : memref<16384x32xf32, #tpu.memory_space<hbm>> -> memref<16384x32xf32, #tpu.memory_space<hbm>>
    tpu.wait_indirect_dma semaphore(%arg7 : memref<!tpu.dma_semaphore, #tpu.memory_space<semaphore_mem>>) src(%dma_wait3A_356 : memref<16384x32xf32, #tpu.memory_space<hbm>>) dst(%dma_wait3A_351 : memref<128x32xf32, #tpu.memory_space<vmem>>)
    %add3A_357 = arith.constant 1408 : i32
    %add3A_358 = arith.addi %mul3A_2, %add3A_357 : i32
    %dma_start3A_359 = arith.constant 1408 : i32
    %dma_start3A_360 = arith.constant 0 : i32
    %dma_start3A_361 = tpu.memref_slice %arg6[%dma_start3A_359, %dma_start3A_360] : memref<2048x32xf32, #tpu.memory_space<vmem>> -> memref<128x32xf32, #tpu.memory_space<vmem>>
    %dma_start3A_362 = arith.constant 0 : i32
    %dma_start3A_363 = tpu.memref_slice %arg4[%add3A_358, %dma_start3A_362] : memref<65536x32xf32, #tpu.memory_space<hbm>> -> memref<128x32xf32, #tpu.memory_space<hbm>>
    %dma_start3A_364 = arith.constant 0 : i32
    %dma_start3A_365 = tpu.memref_slice %arg4[%add3A_358, %dma_start3A_364] : memref<65536x32xf32, #tpu.memory_space<hbm>> -> memref<128x32xf32, #tpu.memory_space<hbm>>
    %dma_start3A_366 = arith.constant 1408 : i32
    %dma_start3A_367 = arith.constant 0 : i32
    %dma_start3A_368 = tpu.memref_slice %arg6[%dma_start3A_366, %dma_start3A_367] : memref<2048x32xf32, #tpu.memory_space<vmem>> -> memref<128x32xf32, #tpu.memory_space<vmem>>
    tpu.enqueue_dma source(%dma_start3A_368 : memref<128x32xf32, #tpu.memory_space<vmem>>) target(%dma_start3A_365 : memref<128x32xf32, #tpu.memory_space<hbm>>) target_semaphore(%arg8 : memref<!tpu.dma_semaphore, #tpu.memory_space<semaphore_mem>>)
    %dma_wait3A_369 = arith.constant 1536 : i32
    %dma_wait3A_370 = arith.constant 0 : i32
    %dma_wait3A_371 = tpu.memref_slice %arg6[%dma_wait3A_369, %dma_wait3A_370] : memref<2048x32xf32, #tpu.memory_space<vmem>> -> memref<128x32xf32, #tpu.memory_space<vmem>>
    %dma_wait3A_372 = arith.constant 1536 : i32
    %dma_wait3A_373 = tpu.memref_slice %arg5[%dma_wait3A_372] : memref<2048xi32, #tpu.memory_space<vmem>> -> memref<128xi32, #tpu.memory_space<vmem>>
    %dma_wait3A_374 = arith.constant 0 : i32
    %dma_wait3A_375 = arith.constant 0 : i32
    %dma_wait3A_376 = tpu.memref_slice %arg2[%dma_wait3A_374, %dma_wait3A_375] : memref<16384x32xf32, #tpu.memory_space<hbm>> -> memref<16384x32xf32, #tpu.memory_space<hbm>>
    tpu.wait_indirect_dma semaphore(%arg7 : memref<!tpu.dma_semaphore, #tpu.memory_space<semaphore_mem>>) src(%dma_wait3A_376 : memref<16384x32xf32, #tpu.memory_space<hbm>>) dst(%dma_wait3A_371 : memref<128x32xf32, #tpu.memory_space<vmem>>)
    %add3A_377 = arith.constant 1536 : i32
    %add3A_378 = arith.addi %mul3A_2, %add3A_377 : i32
    %dma_start3A_379 = arith.constant 1536 : i32
    %dma_start3A_380 = arith.constant 0 : i32
    %dma_start3A_381 = tpu.memref_slice %arg6[%dma_start3A_379, %dma_start3A_380] : memref<2048x32xf32, #tpu.memory_space<vmem>> -> memref<128x32xf32, #tpu.memory_space<vmem>>
    %dma_start3A_382 = arith.constant 0 : i32
    %dma_start3A_383 = tpu.memref_slice %arg4[%add3A_378, %dma_start3A_382] : memref<65536x32xf32, #tpu.memory_space<hbm>> -> memref<128x32xf32, #tpu.memory_space<hbm>>
    %dma_start3A_384 = arith.constant 0 : i32
    %dma_start3A_385 = tpu.memref_slice %arg4[%add3A_378, %dma_start3A_384] : memref<65536x32xf32, #tpu.memory_space<hbm>> -> memref<128x32xf32, #tpu.memory_space<hbm>>
    %dma_start3A_386 = arith.constant 1536 : i32
    %dma_start3A_387 = arith.constant 0 : i32
    %dma_start3A_388 = tpu.memref_slice %arg6[%dma_start3A_386, %dma_start3A_387] : memref<2048x32xf32, #tpu.memory_space<vmem>> -> memref<128x32xf32, #tpu.memory_space<vmem>>
    tpu.enqueue_dma source(%dma_start3A_388 : memref<128x32xf32, #tpu.memory_space<vmem>>) target(%dma_start3A_385 : memref<128x32xf32, #tpu.memory_space<hbm>>) target_semaphore(%arg8 : memref<!tpu.dma_semaphore, #tpu.memory_space<semaphore_mem>>)
    %dma_wait3A_389 = arith.constant 1664 : i32
    %dma_wait3A_390 = arith.constant 0 : i32
    %dma_wait3A_391 = tpu.memref_slice %arg6[%dma_wait3A_389, %dma_wait3A_390] : memref<2048x32xf32, #tpu.memory_space<vmem>> -> memref<128x32xf32, #tpu.memory_space<vmem>>
    %dma_wait3A_392 = arith.constant 1664 : i32
    %dma_wait3A_393 = tpu.memref_slice %arg5[%dma_wait3A_392] : memref<2048xi32, #tpu.memory_space<vmem>> -> memref<128xi32, #tpu.memory_space<vmem>>
    %dma_wait3A_394 = arith.constant 0 : i32
    %dma_wait3A_395 = arith.constant 0 : i32
    %dma_wait3A_396 = tpu.memref_slice %arg2[%dma_wait3A_394, %dma_wait3A_395] : memref<16384x32xf32, #tpu.memory_space<hbm>> -> memref<16384x32xf32, #tpu.memory_space<hbm>>
    tpu.wait_indirect_dma semaphore(%arg7 : memref<!tpu.dma_semaphore, #tpu.memory_space<semaphore_mem>>) src(%dma_wait3A_396 : memref<16384x32xf32, #tpu.memory_space<hbm>>) dst(%dma_wait3A_391 : memref<128x32xf32, #tpu.memory_space<vmem>>)
    %add3A_397 = arith.constant 1664 : i32
    %add3A_398 = arith.addi %mul3A_2, %add3A_397 : i32
    %dma_start3A_399 = arith.constant 1664 : i32
    %dma_start3A_400 = arith.constant 0 : i32
    %dma_start3A_401 = tpu.memref_slice %arg6[%dma_start3A_399, %dma_start3A_400] : memref<2048x32xf32, #tpu.memory_space<vmem>> -> memref<128x32xf32, #tpu.memory_space<vmem>>
    %dma_start3A_402 = arith.constant 0 : i32
    %dma_start3A_403 = tpu.memref_slice %arg4[%add3A_398, %dma_start3A_402] : memref<65536x32xf32, #tpu.memory_space<hbm>> -> memref<128x32xf32, #tpu.memory_space<hbm>>
    %dma_start3A_404 = arith.constant 0 : i32
    %dma_start3A_405 = tpu.memref_slice %arg4[%add3A_398, %dma_start3A_404] : memref<65536x32xf32, #tpu.memory_space<hbm>> -> memref<128x32xf32, #tpu.memory_space<hbm>>
    %dma_start3A_406 = arith.constant 1664 : i32
    %dma_start3A_407 = arith.constant 0 : i32
    %dma_start3A_408 = tpu.memref_slice %arg6[%dma_start3A_406, %dma_start3A_407] : memref<2048x32xf32, #tpu.memory_space<vmem>> -> memref<128x32xf32, #tpu.memory_space<vmem>>
    tpu.enqueue_dma source(%dma_start3A_408 : memref<128x32xf32, #tpu.memory_space<vmem>>) target(%dma_start3A_405 : memref<128x32xf32, #tpu.memory_space<hbm>>) target_semaphore(%arg8 : memref<!tpu.dma_semaphore, #tpu.memory_space<semaphore_mem>>)
    %dma_wait3A_409 = arith.constant 1792 : i32
    %dma_wait3A_410 = arith.constant 0 : i32
    %dma_wait3A_411 = tpu.memref_slice %arg6[%dma_wait3A_409, %dma_wait3A_410] : memref<2048x32xf32, #tpu.memory_space<vmem>> -> memref<128x32xf32, #tpu.memory_space<vmem>>
    %dma_wait3A_412 = arith.constant 1792 : i32
    %dma_wait3A_413 = tpu.memref_slice %arg5[%dma_wait3A_412] : memref<2048xi32, #tpu.memory_space<vmem>> -> memref<128xi32, #tpu.memory_space<vmem>>
    %dma_wait3A_414 = arith.constant 0 : i32
    %dma_wait3A_415 = arith.constant 0 : i32
    %dma_wait3A_416 = tpu.memref_slice %arg2[%dma_wait3A_414, %dma_wait3A_415] : memref<16384x32xf32, #tpu.memory_space<hbm>> -> memref<16384x32xf32, #tpu.memory_space<hbm>>
    tpu.wait_indirect_dma semaphore(%arg7 : memref<!tpu.dma_semaphore, #tpu.memory_space<semaphore_mem>>) src(%dma_wait3A_416 : memref<16384x32xf32, #tpu.memory_space<hbm>>) dst(%dma_wait3A_411 : memref<128x32xf32, #tpu.memory_space<vmem>>)
    %add3A_417 = arith.constant 1792 : i32
    %add3A_418 = arith.addi %mul3A_2, %add3A_417 : i32
    %dma_start3A_419 = arith.constant 1792 : i32
    %dma_start3A_420 = arith.constant 0 : i32
    %dma_start3A_421 = tpu.memref_slice %arg6[%dma_start3A_419, %dma_start3A_420] : memref<2048x32xf32, #tpu.memory_space<vmem>> -> memref<128x32xf32, #tpu.memory_space<vmem>>
    %dma_start3A_422 = arith.constant 0 : i32
    %dma_start3A_423 = tpu.memref_slice %arg4[%add3A_418, %dma_start3A_422] : memref<65536x32xf32, #tpu.memory_space<hbm>> -> memref<128x32xf32, #tpu.memory_space<hbm>>
    %dma_start3A_424 = arith.constant 0 : i32
    %dma_start3A_425 = tpu.memref_slice %arg4[%add3A_418, %dma_start3A_424] : memref<65536x32xf32, #tpu.memory_space<hbm>> -> memref<128x32xf32, #tpu.memory_space<hbm>>
    %dma_start3A_426 = arith.constant 1792 : i32
    %dma_start3A_427 = arith.constant 0 : i32
    %dma_start3A_428 = tpu.memref_slice %arg6[%dma_start3A_426, %dma_start3A_427] : memref<2048x32xf32, #tpu.memory_space<vmem>> -> memref<128x32xf32, #tpu.memory_space<vmem>>
    tpu.enqueue_dma source(%dma_start3A_428 : memref<128x32xf32, #tpu.memory_space<vmem>>) target(%dma_start3A_425 : memref<128x32xf32, #tpu.memory_space<hbm>>) target_semaphore(%arg8 : memref<!tpu.dma_semaphore, #tpu.memory_space<semaphore_mem>>)
    %dma_wait3A_429 = arith.constant 1920 : i32
    %dma_wait3A_430 = arith.constant 0 : i32
    %dma_wait3A_431 = tpu.memref_slice %arg6[%dma_wait3A_429, %dma_wait3A_430] : memref<2048x32xf32, #tpu.memory_space<vmem>> -> memref<128x32xf32, #tpu.memory_space<vmem>>
    %dma_wait3A_432 = arith.constant 1920 : i32
    %dma_wait3A_433 = tpu.memref_slice %arg5[%dma_wait3A_432] : memref<2048xi32, #tpu.memory_space<vmem>> -> memref<128xi32, #tpu.memory_space<vmem>>
    %dma_wait3A_434 = arith.constant 0 : i32
    %dma_wait3A_435 = arith.constant 0 : i32
    %dma_wait3A_436 = tpu.memref_slice %arg2[%dma_wait3A_434, %dma_wait3A_435] : memref<16384x32xf32, #tpu.memory_space<hbm>> -> memref<16384x32xf32, #tpu.memory_space<hbm>>
    tpu.wait_indirect_dma semaphore(%arg7 : memref<!tpu.dma_semaphore, #tpu.memory_space<semaphore_mem>>) src(%dma_wait3A_436 : memref<16384x32xf32, #tpu.memory_space<hbm>>) dst(%dma_wait3A_431 : memref<128x32xf32, #tpu.memory_space<vmem>>)
    %add3A_437 = arith.constant 1920 : i32
    %add3A_438 = arith.addi %mul3A_2, %add3A_437 : i32
    %dma_start3A_439 = arith.constant 1920 : i32
    %dma_start3A_440 = arith.constant 0 : i32
    %dma_start3A_441 = tpu.memref_slice %arg6[%dma_start3A_439, %dma_start3A_440] : memref<2048x32xf32, #tpu.memory_space<vmem>> -> memref<128x32xf32, #tpu.memory_space<vmem>>
    %dma_start3A_442 = arith.constant 0 : i32
    %dma_start3A_443 = tpu.memref_slice %arg4[%add3A_438, %dma_start3A_442] : memref<65536x32xf32, #tpu.memory_space<hbm>> -> memref<128x32xf32, #tpu.memory_space<hbm>>
    %dma_start3A_444 = arith.constant 0 : i32
    %dma_start3A_445 = tpu.memref_slice %arg4[%add3A_438, %dma_start3A_444] : memref<65536x32xf32, #tpu.memory_space<hbm>> -> memref<128x32xf32, #tpu.memory_space<hbm>>
    %dma_start3A_446 = arith.constant 1920 : i32
    %dma_start3A_447 = arith.constant 0 : i32
    %dma_start3A_448 = tpu.memref_slice %arg6[%dma_start3A_446, %dma_start3A_447] : memref<2048x32xf32, #tpu.memory_space<vmem>> -> memref<128x32xf32, #tpu.memory_space<vmem>>
    tpu.enqueue_dma source(%dma_start3A_448 : memref<128x32xf32, #tpu.memory_space<vmem>>) target(%dma_start3A_445 : memref<128x32xf32, #tpu.memory_space<hbm>>) target_semaphore(%arg8 : memref<!tpu.dma_semaphore, #tpu.memory_space<semaphore_mem>>)
    %dma_wait3A_449 = arith.constant 0 : i32
    %dma_wait3A_450 = arith.constant 0 : i32
    %dma_wait3A_451 = tpu.memref_slice %arg6[%dma_wait3A_449, %dma_wait3A_450] : memref<2048x32xf32, #tpu.memory_space<vmem>> -> memref<128x32xf32, #tpu.memory_space<vmem>>
    %dma_wait3A_452 = arith.constant 0 : i32
    %dma_wait3A_453 = tpu.memref_slice %arg4[%add3A_138, %dma_wait3A_452] : memref<65536x32xf32, #tpu.memory_space<hbm>> -> memref<128x32xf32, #tpu.memory_space<hbm>>
    %dma_wait3A_454 = arith.constant 0 : i32
    %dma_wait3A_455 = tpu.memref_slice %arg4[%add3A_138, %dma_wait3A_454] : memref<65536x32xf32, #tpu.memory_space<hbm>> -> memref<128x32xf32, #tpu.memory_space<hbm>>
    %dma_wait3A_456 = arith.constant 0 : i32
    %dma_wait3A_457 = arith.constant 0 : i32
    %dma_wait3A_458 = tpu.memref_slice %arg6[%dma_wait3A_456, %dma_wait3A_457] : memref<2048x32xf32, #tpu.memory_space<vmem>> -> memref<128x32xf32, #tpu.memory_space<vmem>>
    tpu.wait_dma2 semaphore(%arg8 : memref<!tpu.dma_semaphore, #tpu.memory_space<semaphore_mem>>) src(%dma_wait3A_458 : memref<128x32xf32, #tpu.memory_space<vmem>>) dst(%dma_wait3A_455 : memref<128x32xf32, #tpu.memory_space<hbm>>)
    %dma_wait3A_459 = arith.constant 128 : i32
    %dma_wait3A_460 = arith.constant 0 : i32
    %dma_wait3A_461 = tpu.memref_slice %arg6[%dma_wait3A_459, %dma_wait3A_460] : memref<2048x32xf32, #tpu.memory_space<vmem>> -> memref<128x32xf32, #tpu.memory_space<vmem>>
    %dma_wait3A_462 = arith.constant 0 : i32
    %dma_wait3A_463 = tpu.memref_slice %arg4[%add3A_158, %dma_wait3A_462] : memref<65536x32xf32, #tpu.memory_space<hbm>> -> memref<128x32xf32, #tpu.memory_space<hbm>>
    %dma_wait3A_464 = arith.constant 0 : i32
    %dma_wait3A_465 = tpu.memref_slice %arg4[%add3A_158, %dma_wait3A_464] : memref<65536x32xf32, #tpu.memory_space<hbm>> -> memref<128x32xf32, #tpu.memory_space<hbm>>
    %dma_wait3A_466 = arith.constant 128 : i32
    %dma_wait3A_467 = arith.constant 0 : i32
    %dma_wait3A_468 = tpu.memref_slice %arg6[%dma_wait3A_466, %dma_wait3A_467] : memref<2048x32xf32, #tpu.memory_space<vmem>> -> memref<128x32xf32, #tpu.memory_space<vmem>>
    tpu.wait_dma2 semaphore(%arg8 : memref<!tpu.dma_semaphore, #tpu.memory_space<semaphore_mem>>) src(%dma_wait3A_468 : memref<128x32xf32, #tpu.memory_space<vmem>>) dst(%dma_wait3A_465 : memref<128x32xf32, #tpu.memory_space<hbm>>)
    %dma_wait3A_469 = arith.constant 256 : i32
    %dma_wait3A_470 = arith.constant 0 : i32
    %dma_wait3A_471 = tpu.memref_slice %arg6[%dma_wait3A_469, %dma_wait3A_470] : memref<2048x32xf32, #tpu.memory_space<vmem>> -> memref<128x32xf32, #tpu.memory_space<vmem>>
    %dma_wait3A_472 = arith.constant 0 : i32
    %dma_wait3A_473 = tpu.memref_slice %arg4[%add3A_178, %dma_wait3A_472] : memref<65536x32xf32, #tpu.memory_space<hbm>> -> memref<128x32xf32, #tpu.memory_space<hbm>>
    %dma_wait3A_474 = arith.constant 0 : i32
    %dma_wait3A_475 = tpu.memref_slice %arg4[%add3A_178, %dma_wait3A_474] : memref<65536x32xf32, #tpu.memory_space<hbm>> -> memref<128x32xf32, #tpu.memory_space<hbm>>
    %dma_wait3A_476 = arith.constant 256 : i32
    %dma_wait3A_477 = arith.constant 0 : i32
    %dma_wait3A_478 = tpu.memref_slice %arg6[%dma_wait3A_476, %dma_wait3A_477] : memref<2048x32xf32, #tpu.memory_space<vmem>> -> memref<128x32xf32, #tpu.memory_space<vmem>>
    tpu.wait_dma2 semaphore(%arg8 : memref<!tpu.dma_semaphore, #tpu.memory_space<semaphore_mem>>) src(%dma_wait3A_478 : memref<128x32xf32, #tpu.memory_space<vmem>>) dst(%dma_wait3A_475 : memref<128x32xf32, #tpu.memory_space<hbm>>)
    %dma_wait3A_479 = arith.constant 384 : i32
    %dma_wait3A_480 = arith.constant 0 : i32
    %dma_wait3A_481 = tpu.memref_slice %arg6[%dma_wait3A_479, %dma_wait3A_480] : memref<2048x32xf32, #tpu.memory_space<vmem>> -> memref<128x32xf32, #tpu.memory_space<vmem>>
    %dma_wait3A_482 = arith.constant 0 : i32
    %dma_wait3A_483 = tpu.memref_slice %arg4[%add3A_198, %dma_wait3A_482] : memref<65536x32xf32, #tpu.memory_space<hbm>> -> memref<128x32xf32, #tpu.memory_space<hbm>>
    %dma_wait3A_484 = arith.constant 0 : i32
    %dma_wait3A_485 = tpu.memref_slice %arg4[%add3A_198, %dma_wait3A_484] : memref<65536x32xf32, #tpu.memory_space<hbm>> -> memref<128x32xf32, #tpu.memory_space<hbm>>
    %dma_wait3A_486 = arith.constant 384 : i32
    %dma_wait3A_487 = arith.constant 0 : i32
    %dma_wait3A_488 = tpu.memref_slice %arg6[%dma_wait3A_486, %dma_wait3A_487] : memref<2048x32xf32, #tpu.memory_space<vmem>> -> memref<128x32xf32, #tpu.memory_space<vmem>>
    tpu.wait_dma2 semaphore(%arg8 : memref<!tpu.dma_semaphore, #tpu.memory_space<semaphore_mem>>) src(%dma_wait3A_488 : memref<128x32xf32, #tpu.memory_space<vmem>>) dst(%dma_wait3A_485 : memref<128x32xf32, #tpu.memory_space<hbm>>)
    %dma_wait3A_489 = arith.constant 512 : i32
    %dma_wait3A_490 = arith.constant 0 : i32
    %dma_wait3A_491 = tpu.memref_slice %arg6[%dma_wait3A_489, %dma_wait3A_490] : memref<2048x32xf32, #tpu.memory_space<vmem>> -> memref<128x32xf32, #tpu.memory_space<vmem>>
    %dma_wait3A_492 = arith.constant 0 : i32
    %dma_wait3A_493 = tpu.memref_slice %arg4[%add3A_218, %dma_wait3A_492] : memref<65536x32xf32, #tpu.memory_space<hbm>> -> memref<128x32xf32, #tpu.memory_space<hbm>>
    %dma_wait3A_494 = arith.constant 0 : i32
    %dma_wait3A_495 = tpu.memref_slice %arg4[%add3A_218, %dma_wait3A_494] : memref<65536x32xf32, #tpu.memory_space<hbm>> -> memref<128x32xf32, #tpu.memory_space<hbm>>
    %dma_wait3A_496 = arith.constant 512 : i32
    %dma_wait3A_497 = arith.constant 0 : i32
    %dma_wait3A_498 = tpu.memref_slice %arg6[%dma_wait3A_496, %dma_wait3A_497] : memref<2048x32xf32, #tpu.memory_space<vmem>> -> memref<128x32xf32, #tpu.memory_space<vmem>>
    tpu.wait_dma2 semaphore(%arg8 : memref<!tpu.dma_semaphore, #tpu.memory_space<semaphore_mem>>) src(%dma_wait3A_498 : memref<128x32xf32, #tpu.memory_space<vmem>>) dst(%dma_wait3A_495 : memref<128x32xf32, #tpu.memory_space<hbm>>)
    %dma_wait3A_499 = arith.constant 640 : i32
    %dma_wait3A_500 = arith.constant 0 : i32
    %dma_wait3A_501 = tpu.memref_slice %arg6[%dma_wait3A_499, %dma_wait3A_500] : memref<2048x32xf32, #tpu.memory_space<vmem>> -> memref<128x32xf32, #tpu.memory_space<vmem>>
    %dma_wait3A_502 = arith.constant 0 : i32
    %dma_wait3A_503 = tpu.memref_slice %arg4[%add3A_238, %dma_wait3A_502] : memref<65536x32xf32, #tpu.memory_space<hbm>> -> memref<128x32xf32, #tpu.memory_space<hbm>>
    %dma_wait3A_504 = arith.constant 0 : i32
    %dma_wait3A_505 = tpu.memref_slice %arg4[%add3A_238, %dma_wait3A_504] : memref<65536x32xf32, #tpu.memory_space<hbm>> -> memref<128x32xf32, #tpu.memory_space<hbm>>
    %dma_wait3A_506 = arith.constant 640 : i32
    %dma_wait3A_507 = arith.constant 0 : i32
    %dma_wait3A_508 = tpu.memref_slice %arg6[%dma_wait3A_506, %dma_wait3A_507] : memref<2048x32xf32, #tpu.memory_space<vmem>> -> memref<128x32xf32, #tpu.memory_space<vmem>>
    tpu.wait_dma2 semaphore(%arg8 : memref<!tpu.dma_semaphore, #tpu.memory_space<semaphore_mem>>) src(%dma_wait3A_508 : memref<128x32xf32, #tpu.memory_space<vmem>>) dst(%dma_wait3A_505 : memref<128x32xf32, #tpu.memory_space<hbm>>)
    %dma_wait3A_509 = arith.constant 768 : i32
    %dma_wait3A_510 = arith.constant 0 : i32
    %dma_wait3A_511 = tpu.memref_slice %arg6[%dma_wait3A_509, %dma_wait3A_510] : memref<2048x32xf32, #tpu.memory_space<vmem>> -> memref<128x32xf32, #tpu.memory_space<vmem>>
    %dma_wait3A_512 = arith.constant 0 : i32
    %dma_wait3A_513 = tpu.memref_slice %arg4[%add3A_258, %dma_wait3A_512] : memref<65536x32xf32, #tpu.memory_space<hbm>> -> memref<128x32xf32, #tpu.memory_space<hbm>>
    %dma_wait3A_514 = arith.constant 0 : i32
    %dma_wait3A_515 = tpu.memref_slice %arg4[%add3A_258, %dma_wait3A_514] : memref<65536x32xf32, #tpu.memory_space<hbm>> -> memref<128x32xf32, #tpu.memory_space<hbm>>
    %dma_wait3A_516 = arith.constant 768 : i32
    %dma_wait3A_517 = arith.constant 0 : i32
    %dma_wait3A_518 = tpu.memref_slice %arg6[%dma_wait3A_516, %dma_wait3A_517] : memref<2048x32xf32, #tpu.memory_space<vmem>> -> memref<128x32xf32, #tpu.memory_space<vmem>>
    tpu.wait_dma2 semaphore(%arg8 : memref<!tpu.dma_semaphore, #tpu.memory_space<semaphore_mem>>) src(%dma_wait3A_518 : memref<128x32xf32, #tpu.memory_space<vmem>>) dst(%dma_wait3A_515 : memref<128x32xf32, #tpu.memory_space<hbm>>)
    %dma_wait3A_519 = arith.constant 896 : i32
    %dma_wait3A_520 = arith.constant 0 : i32
    %dma_wait3A_521 = tpu.memref_slice %arg6[%dma_wait3A_519, %dma_wait3A_520] : memref<2048x32xf32, #tpu.memory_space<vmem>> -> memref<128x32xf32, #tpu.memory_space<vmem>>
    %dma_wait3A_522 = arith.constant 0 : i32
    %dma_wait3A_523 = tpu.memref_slice %arg4[%add3A_278, %dma_wait3A_522] : memref<65536x32xf32, #tpu.memory_space<hbm>> -> memref<128x32xf32, #tpu.memory_space<hbm>>
    %dma_wait3A_524 = arith.constant 0 : i32
    %dma_wait3A_525 = tpu.memref_slice %arg4[%add3A_278, %dma_wait3A_524] : memref<65536x32xf32, #tpu.memory_space<hbm>> -> memref<128x32xf32, #tpu.memory_space<hbm>>
    %dma_wait3A_526 = arith.constant 896 : i32
    %dma_wait3A_527 = arith.constant 0 : i32
    %dma_wait3A_528 = tpu.memref_slice %arg6[%dma_wait3A_526, %dma_wait3A_527] : memref<2048x32xf32, #tpu.memory_space<vmem>> -> memref<128x32xf32, #tpu.memory_space<vmem>>
    tpu.wait_dma2 semaphore(%arg8 : memref<!tpu.dma_semaphore, #tpu.memory_space<semaphore_mem>>) src(%dma_wait3A_528 : memref<128x32xf32, #tpu.memory_space<vmem>>) dst(%dma_wait3A_525 : memref<128x32xf32, #tpu.memory_space<hbm>>)
    %dma_wait3A_529 = arith.constant 1024 : i32
    %dma_wait3A_530 = arith.constant 0 : i32
    %dma_wait3A_531 = tpu.memref_slice %arg6[%dma_wait3A_529, %dma_wait3A_530] : memref<2048x32xf32, #tpu.memory_space<vmem>> -> memref<128x32xf32, #tpu.memory_space<vmem>>
    %dma_wait3A_532 = arith.constant 0 : i32
    %dma_wait3A_533 = tpu.memref_slice %arg4[%add3A_298, %dma_wait3A_532] : memref<65536x32xf32, #tpu.memory_space<hbm>> -> memref<128x32xf32, #tpu.memory_space<hbm>>
    %dma_wait3A_534 = arith.constant 0 : i32
    %dma_wait3A_535 = tpu.memref_slice %arg4[%add3A_298, %dma_wait3A_534] : memref<65536x32xf32, #tpu.memory_space<hbm>> -> memref<128x32xf32, #tpu.memory_space<hbm>>
    %dma_wait3A_536 = arith.constant 1024 : i32
    %dma_wait3A_537 = arith.constant 0 : i32
    %dma_wait3A_538 = tpu.memref_slice %arg6[%dma_wait3A_536, %dma_wait3A_537] : memref<2048x32xf32, #tpu.memory_space<vmem>> -> memref<128x32xf32, #tpu.memory_space<vmem>>
    tpu.wait_dma2 semaphore(%arg8 : memref<!tpu.dma_semaphore, #tpu.memory_space<semaphore_mem>>) src(%dma_wait3A_538 : memref<128x32xf32, #tpu.memory_space<vmem>>) dst(%dma_wait3A_535 : memref<128x32xf32, #tpu.memory_space<hbm>>)
    %dma_wait3A_539 = arith.constant 1152 : i32
    %dma_wait3A_540 = arith.constant 0 : i32
    %dma_wait3A_541 = tpu.memref_slice %arg6[%dma_wait3A_539, %dma_wait3A_540] : memref<2048x32xf32, #tpu.memory_space<vmem>> -> memref<128x32xf32, #tpu.memory_space<vmem>>
    %dma_wait3A_542 = arith.constant 0 : i32
    %dma_wait3A_543 = tpu.memref_slice %arg4[%add3A_318, %dma_wait3A_542] : memref<65536x32xf32, #tpu.memory_space<hbm>> -> memref<128x32xf32, #tpu.memory_space<hbm>>
    %dma_wait3A_544 = arith.constant 0 : i32
    %dma_wait3A_545 = tpu.memref_slice %arg4[%add3A_318, %dma_wait3A_544] : memref<65536x32xf32, #tpu.memory_space<hbm>> -> memref<128x32xf32, #tpu.memory_space<hbm>>
    %dma_wait3A_546 = arith.constant 1152 : i32
    %dma_wait3A_547 = arith.constant 0 : i32
    %dma_wait3A_548 = tpu.memref_slice %arg6[%dma_wait3A_546, %dma_wait3A_547] : memref<2048x32xf32, #tpu.memory_space<vmem>> -> memref<128x32xf32, #tpu.memory_space<vmem>>
    tpu.wait_dma2 semaphore(%arg8 : memref<!tpu.dma_semaphore, #tpu.memory_space<semaphore_mem>>) src(%dma_wait3A_548 : memref<128x32xf32, #tpu.memory_space<vmem>>) dst(%dma_wait3A_545 : memref<128x32xf32, #tpu.memory_space<hbm>>)
    %dma_wait3A_549 = arith.constant 1280 : i32
    %dma_wait3A_550 = arith.constant 0 : i32
    %dma_wait3A_551 = tpu.memref_slice %arg6[%dma_wait3A_549, %dma_wait3A_550] : memref<2048x32xf32, #tpu.memory_space<vmem>> -> memref<128x32xf32, #tpu.memory_space<vmem>>
    %dma_wait3A_552 = arith.constant 0 : i32
    %dma_wait3A_553 = tpu.memref_slice %arg4[%add3A_338, %dma_wait3A_552] : memref<65536x32xf32, #tpu.memory_space<hbm>> -> memref<128x32xf32, #tpu.memory_space<hbm>>
    %dma_wait3A_554 = arith.constant 0 : i32
    %dma_wait3A_555 = tpu.memref_slice %arg4[%add3A_338, %dma_wait3A_554] : memref<65536x32xf32, #tpu.memory_space<hbm>> -> memref<128x32xf32, #tpu.memory_space<hbm>>
    %dma_wait3A_556 = arith.constant 1280 : i32
    %dma_wait3A_557 = arith.constant 0 : i32
    %dma_wait3A_558 = tpu.memref_slice %arg6[%dma_wait3A_556, %dma_wait3A_557] : memref<2048x32xf32, #tpu.memory_space<vmem>> -> memref<128x32xf32, #tpu.memory_space<vmem>>
    tpu.wait_dma2 semaphore(%arg8 : memref<!tpu.dma_semaphore, #tpu.memory_space<semaphore_mem>>) src(%dma_wait3A_558 : memref<128x32xf32, #tpu.memory_space<vmem>>) dst(%dma_wait3A_555 : memref<128x32xf32, #tpu.memory_space<hbm>>)
    %dma_wait3A_559 = arith.constant 1408 : i32
    %dma_wait3A_560 = arith.constant 0 : i32
    %dma_wait3A_561 = tpu.memref_slice %arg6[%dma_wait3A_559, %dma_wait3A_560] : memref<2048x32xf32, #tpu.memory_space<vmem>> -> memref<128x32xf32, #tpu.memory_space<vmem>>
    %dma_wait3A_562 = arith.constant 0 : i32
    %dma_wait3A_563 = tpu.memref_slice %arg4[%add3A_358, %dma_wait3A_562] : memref<65536x32xf32, #tpu.memory_space<hbm>> -> memref<128x32xf32, #tpu.memory_space<hbm>>
    %dma_wait3A_564 = arith.constant 0 : i32
    %dma_wait3A_565 = tpu.memref_slice %arg4[%add3A_358, %dma_wait3A_564] : memref<65536x32xf32, #tpu.memory_space<hbm>> -> memref<128x32xf32, #tpu.memory_space<hbm>>
    %dma_wait3A_566 = arith.constant 1408 : i32
    %dma_wait3A_567 = arith.constant 0 : i32
    %dma_wait3A_568 = tpu.memref_slice %arg6[%dma_wait3A_566, %dma_wait3A_567] : memref<2048x32xf32, #tpu.memory_space<vmem>> -> memref<128x32xf32, #tpu.memory_space<vmem>>
    tpu.wait_dma2 semaphore(%arg8 : memref<!tpu.dma_semaphore, #tpu.memory_space<semaphore_mem>>) src(%dma_wait3A_568 : memref<128x32xf32, #tpu.memory_space<vmem>>) dst(%dma_wait3A_565 : memref<128x32xf32, #tpu.memory_space<hbm>>)
    %dma_wait3A_569 = arith.constant 1536 : i32
    %dma_wait3A_570 = arith.constant 0 : i32
    %dma_wait3A_571 = tpu.memref_slice %arg6[%dma_wait3A_569, %dma_wait3A_570] : memref<2048x32xf32, #tpu.memory_space<vmem>> -> memref<128x32xf32, #tpu.memory_space<vmem>>
    %dma_wait3A_572 = arith.constant 0 : i32
    %dma_wait3A_573 = tpu.memref_slice %arg4[%add3A_378, %dma_wait3A_572] : memref<65536x32xf32, #tpu.memory_space<hbm>> -> memref<128x32xf32, #tpu.memory_space<hbm>>
    %dma_wait3A_574 = arith.constant 0 : i32
    %dma_wait3A_575 = tpu.memref_slice %arg4[%add3A_378, %dma_wait3A_574] : memref<65536x32xf32, #tpu.memory_space<hbm>> -> memref<128x32xf32, #tpu.memory_space<hbm>>
    %dma_wait3A_576 = arith.constant 1536 : i32
    %dma_wait3A_577 = arith.constant 0 : i32
    %dma_wait3A_578 = tpu.memref_slice %arg6[%dma_wait3A_576, %dma_wait3A_577] : memref<2048x32xf32, #tpu.memory_space<vmem>> -> memref<128x32xf32, #tpu.memory_space<vmem>>
    tpu.wait_dma2 semaphore(%arg8 : memref<!tpu.dma_semaphore, #tpu.memory_space<semaphore_mem>>) src(%dma_wait3A_578 : memref<128x32xf32, #tpu.memory_space<vmem>>) dst(%dma_wait3A_575 : memref<128x32xf32, #tpu.memory_space<hbm>>)
    %dma_wait3A_579 = arith.constant 1664 : i32
    %dma_wait3A_580 = arith.constant 0 : i32
    %dma_wait3A_581 = tpu.memref_slice %arg6[%dma_wait3A_579, %dma_wait3A_580] : memref<2048x32xf32, #tpu.memory_space<vmem>> -> memref<128x32xf32, #tpu.memory_space<vmem>>
    %dma_wait3A_582 = arith.constant 0 : i32
    %dma_wait3A_583 = tpu.memref_slice %arg4[%add3A_398, %dma_wait3A_582] : memref<65536x32xf32, #tpu.memory_space<hbm>> -> memref<128x32xf32, #tpu.memory_space<hbm>>
    %dma_wait3A_584 = arith.constant 0 : i32
    %dma_wait3A_585 = tpu.memref_slice %arg4[%add3A_398, %dma_wait3A_584] : memref<65536x32xf32, #tpu.memory_space<hbm>> -> memref<128x32xf32, #tpu.memory_space<hbm>>
    %dma_wait3A_586 = arith.constant 1664 : i32
    %dma_wait3A_587 = arith.constant 0 : i32
    %dma_wait3A_588 = tpu.memref_slice %arg6[%dma_wait3A_586, %dma_wait3A_587] : memref<2048x32xf32, #tpu.memory_space<vmem>> -> memref<128x32xf32, #tpu.memory_space<vmem>>
    tpu.wait_dma2 semaphore(%arg8 : memref<!tpu.dma_semaphore, #tpu.memory_space<semaphore_mem>>) src(%dma_wait3A_588 : memref<128x32xf32, #tpu.memory_space<vmem>>) dst(%dma_wait3A_585 : memref<128x32xf32, #tpu.memory_space<hbm>>)
    %dma_wait3A_589 = arith.constant 1792 : i32
    %dma_wait3A_590 = arith.constant 0 : i32
    %dma_wait3A_591 = tpu.memref_slice %arg6[%dma_wait3A_589, %dma_wait3A_590] : memref<2048x32xf32, #tpu.memory_space<vmem>> -> memref<128x32xf32, #tpu.memory_space<vmem>>
    %dma_wait3A_592 = arith.constant 0 : i32
    %dma_wait3A_593 = tpu.memref_slice %arg4[%add3A_418, %dma_wait3A_592] : memref<65536x32xf32, #tpu.memory_space<hbm>> -> memref<128x32xf32, #tpu.memory_space<hbm>>
    %dma_wait3A_594 = arith.constant 0 : i32
    %dma_wait3A_595 = tpu.memref_slice %arg4[%add3A_418, %dma_wait3A_594] : memref<65536x32xf32, #tpu.memory_space<hbm>> -> memref<128x32xf32, #tpu.memory_space<hbm>>
    %dma_wait3A_596 = arith.constant 1792 : i32
    %dma_wait3A_597 = arith.constant 0 : i32
    %dma_wait3A_598 = tpu.memref_slice %arg6[%dma_wait3A_596, %dma_wait3A_597] : memref<2048x32xf32, #tpu.memory_space<vmem>> -> memref<128x32xf32, #tpu.memory_space<vmem>>
    tpu.wait_dma2 semaphore(%arg8 : memref<!tpu.dma_semaphore, #tpu.memory_space<semaphore_mem>>) src(%dma_wait3A_598 : memref<128x32xf32, #tpu.memory_space<vmem>>) dst(%dma_wait3A_595 : memref<128x32xf32, #tpu.memory_space<hbm>>)
    %dma_wait3A_599 = arith.constant 1920 : i32
    %dma_wait3A_600 = arith.constant 0 : i32
    %dma_wait3A_601 = tpu.memref_slice %arg6[%dma_wait3A_599, %dma_wait3A_600] : memref<2048x32xf32, #tpu.memory_space<vmem>> -> memref<128x32xf32, #tpu.memory_space<vmem>>
    %dma_wait3A_602 = arith.constant 0 : i32
    %dma_wait3A_603 = tpu.memref_slice %arg4[%add3A_438, %dma_wait3A_602] : memref<65536x32xf32, #tpu.memory_space<hbm>> -> memref<128x32xf32, #tpu.memory_space<hbm>>
    %dma_wait3A_604 = arith.constant 0 : i32
    %dma_wait3A_605 = tpu.memref_slice %arg4[%add3A_438, %dma_wait3A_604] : memref<65536x32xf32, #tpu.memory_space<hbm>> -> memref<128x32xf32, #tpu.memory_space<hbm>>
    %dma_wait3A_606 = arith.constant 1920 : i32
    %dma_wait3A_607 = arith.constant 0 : i32
    %dma_wait3A_608 = tpu.memref_slice %arg6[%dma_wait3A_606, %dma_wait3A_607] : memref<2048x32xf32, #tpu.memory_space<vmem>> -> memref<128x32xf32, #tpu.memory_space<vmem>>
    tpu.wait_dma2 semaphore(%arg8 : memref<!tpu.dma_semaphore, #tpu.memory_space<semaphore_mem>>) src(%dma_wait3A_608 : memref<128x32xf32, #tpu.memory_space<vmem>>) dst(%dma_wait3A_605 : memref<128x32xf32, #tpu.memory_space<hbm>>)
    return
  }
}

module attributes {stable_mosaic.version = 14 : i64} {
  func.func @_knn_body(%arg0: i32, %arg1: i32, %arg2: memref<1x32x4096xf32, #tpu.memory_space<vmem>>, %arg3: memref<1x32x512xf32, #tpu.memory_space<vmem>>, %arg4: memref<1x512x4xi32, #tpu.memory_space<vmem>>) attributes {dimension_semantics = [#tpu.dimension_semantics<arbitrary>, #tpu.dimension_semantics<arbitrary>], iteration_bounds = array<i64: 4, 8>, scalar_prefetch = 0 : i64, scratch_operands = 0 : i64, tpu.core_type = #tpu.core_type<tc>, window_params = [{transform_indices = @transform_0, window_bounds = array<i64: 1, 32, 4096>}, {transform_indices = @transform_1, window_bounds = array<i64: 1, 32, 512>}, {transform_indices = @transform_2, window_bounds = array<i64: 1, 512, 4>}]} {
    %get3A = arith.constant 0 : index
    %get3A_0 = arith.constant 0 : index
    %get3A_1 = arith.constant 0 : index
    %get3A_2 = vector.load %arg2[%get3A, %get3A_0, %get3A_1] : memref<1x32x4096xf32, #tpu.memory_space<vmem>>, vector<1x32x4096xf32>
    %get3A_3 = vector.shape_cast %get3A_2 : vector<1x32x4096xf32> to vector<32x4096xf32>
    %get3A_4 = arith.constant 0 : index
    %get3A_5 = arith.constant 0 : index
    %get3A_6 = arith.constant 0 : index
    %get3A_7 = vector.load %arg3[%get3A_4, %get3A_5, %get3A_6] : memref<1x32x512xf32, #tpu.memory_space<vmem>>, vector<1x32x512xf32>
    %get3A_8 = vector.shape_cast %get3A_7 : vector<1x32x512xf32> to vector<32x512xf32>
    %mul3A = arith.mulf %get3A_3, %get3A_3 : vector<32x4096xf32>
    %reduce_sum3A = arith.constant dense<0.000000e+00> : vector<4096xf32>
    %reduce_sum3A_9 = vector.multi_reduction <add>, %mul3A, %reduce_sum3A [0] : vector<32x4096xf32> to vector<4096xf32>
    %broadcast_in_dim3A = vector.shape_cast %reduce_sum3A_9 : vector<4096xf32> to vector<1x4096xf32>
    %mul3A_10 = arith.mulf %get3A_8, %get3A_8 : vector<32x512xf32>
    %reduce_sum3A_11 = arith.constant dense<0.000000e+00> : vector<512xf32>
    %reduce_sum3A_12 = vector.multi_reduction <add>, %mul3A_10, %reduce_sum3A_11 [0] : vector<32x512xf32> to vector<512xf32>
    %mul3A_13 = arith.constant -2.000000e+00 : f32
    %mul3A_14 = vector.broadcast %mul3A_13 : f32 to vector<32x512xf32>
    %mul3A_15 = arith.mulf %get3A_8, %mul3A_14 : vector<32x512xf32>
    %dot_general3A = arith.constant dense<0.000000e+00> : vector<512x4096xf32>
    %dot_general3A_16 = tpu.matmul %mul3A_15, %get3A_3, %dot_general3A {dimension_numbers = #tpu.dot_dimension_numbers<[0], [0], [1], [1], [0, 1, 1, 1], [], []>, transpose_lhs_hint = false} : vector<32x512xf32>, vector<32x4096xf32>, vector<512x4096xf32> -> vector<512x4096xf32>
    %reshape3A = vector.shape_cast %reduce_sum3A_12 : vector<512xf32> to vector<512x1xf32>
    %add3A = vector.broadcast %reshape3A : vector<512x1xf32> to vector<512x4096xf32>
    %add3A_17 = vector.broadcast %broadcast_in_dim3A : vector<1x4096xf32> to vector<512x4096xf32>
    %add3A_18 = arith.addf %add3A, %add3A_17 : vector<512x4096xf32>
    %add3A_19 = arith.addf %add3A_18, %dot_general3A_16 : vector<512x4096xf32>
    %iota3A = tpu.iota {dimensions = array<i32: 1>} : vector<512x4096xi32>
    %argmin3A = tpu.reduce_index %add3A_19 {axis = 1 : i32, kind = #tpu.reduction_kind<arg_min>} : vector<512x4096xf32> -> vector<512xi32>
    %reshape3A_20 = vector.shape_cast %argmin3A : vector<512xi32> to vector<512x1xi32>
    %eq3A = vector.broadcast %reshape3A_20 : vector<512x1xi32> to vector<512x4096xi32>
    %eq3A_21 = arith.cmpi eq, %iota3A, %eq3A : vector<512x4096xi32>
    %jit3A = arith.constant 0x7F800000 : f32
    %broadcast_in_dim3A_22 = vector.broadcast %jit3A : f32 to vector<512x4096xf32>
    %select_n3A = arith.select %eq3A_21, %broadcast_in_dim3A_22, %add3A_19 : vector<512x4096xi1>, vector<512x4096xf32>
    %argmin3A_23 = tpu.reduce_index %select_n3A {axis = 1 : i32, kind = #tpu.reduction_kind<arg_min>} : vector<512x4096xf32> -> vector<512xi32>
    %reshape3A_24 = vector.shape_cast %argmin3A_23 : vector<512xi32> to vector<512x1xi32>
    %eq3A_25 = vector.broadcast %reshape3A_24 : vector<512x1xi32> to vector<512x4096xi32>
    %eq3A_26 = arith.cmpi eq, %iota3A, %eq3A_25 : vector<512x4096xi32>
    %jit3A_27 = arith.constant 0x7F800000 : f32
    %broadcast_in_dim3A_28 = vector.broadcast %jit3A_27 : f32 to vector<512x4096xf32>
    %select_n3A_29 = arith.select %eq3A_26, %broadcast_in_dim3A_28, %select_n3A : vector<512x4096xi1>, vector<512x4096xf32>
    %argmin3A_30 = tpu.reduce_index %select_n3A_29 {axis = 1 : i32, kind = #tpu.reduction_kind<arg_min>} : vector<512x4096xf32> -> vector<512xi32>
    %reshape3A_31 = vector.shape_cast %argmin3A_30 : vector<512xi32> to vector<512x1xi32>
    %eq3A_32 = vector.broadcast %reshape3A_31 : vector<512x1xi32> to vector<512x4096xi32>
    %eq3A_33 = arith.cmpi eq, %iota3A, %eq3A_32 : vector<512x4096xi32>
    %jit3A_34 = arith.constant 0x7F800000 : f32
    %broadcast_in_dim3A_35 = vector.broadcast %jit3A_34 : f32 to vector<512x4096xf32>
    %select_n3A_36 = arith.select %eq3A_33, %broadcast_in_dim3A_35, %select_n3A_29 : vector<512x4096xi1>, vector<512x4096xf32>
    %argmin3A_37 = tpu.reduce_index %select_n3A_36 {axis = 1 : i32, kind = #tpu.reduction_kind<arg_min>} : vector<512x4096xf32> -> vector<512xi32>
    %reshape3A_38 = vector.shape_cast %argmin3A_37 : vector<512xi32> to vector<512x1xi32>
    %iota3A_39 = tpu.iota {dimensions = array<i32: 1>} : vector<512x4xi32>
    %broadcast_in_dim3A_40 = arith.constant 0 : i32
    %broadcast_in_dim3A_41 = vector.broadcast %broadcast_in_dim3A_40 : i32 to vector<512x4xi32>
    %eq3A_42 = arith.constant 0 : i32
    %eq3A_43 = vector.broadcast %eq3A_42 : i32 to vector<512x4xi32>
    %eq3A_44 = arith.cmpi eq, %iota3A_39, %eq3A_43 : vector<512x4xi32>
    %mul3A_45 = arith.constant 4096 : i32
    %mul3A_46 = arith.muli %arg0, %mul3A_45 : i32
    %add3A_47 = vector.broadcast %mul3A_46 : i32 to vector<512x1xi32>
    %add3A_48 = arith.addi %reshape3A_20, %add3A_47 : vector<512x1xi32>
    %broadcast_in_dim3A_49 = vector.shape_cast %add3A_48 : vector<512x1xi32> to vector<512x1xi32>
    %broadcast_in_dim3A_50 = vector.broadcast %broadcast_in_dim3A_49 : vector<512x1xi32> to vector<512x4xi32>
    %select_n3A_51 = arith.select %eq3A_44, %broadcast_in_dim3A_50, %broadcast_in_dim3A_41 : vector<512x4xi1>, vector<512x4xi32>
    %eq3A_52 = arith.constant 1 : i32
    %eq3A_53 = vector.broadcast %eq3A_52 : i32 to vector<512x4xi32>
    %eq3A_54 = arith.cmpi eq, %iota3A_39, %eq3A_53 : vector<512x4xi32>
    %mul3A_55 = arith.constant 4096 : i32
    %mul3A_56 = arith.muli %arg0, %mul3A_55 : i32
    %add3A_57 = vector.broadcast %mul3A_56 : i32 to vector<512x1xi32>
    %add3A_58 = arith.addi %reshape3A_24, %add3A_57 : vector<512x1xi32>
    %broadcast_in_dim3A_59 = vector.shape_cast %add3A_58 : vector<512x1xi32> to vector<512x1xi32>
    %broadcast_in_dim3A_60 = vector.broadcast %broadcast_in_dim3A_59 : vector<512x1xi32> to vector<512x4xi32>
    %select_n3A_61 = arith.select %eq3A_54, %broadcast_in_dim3A_60, %select_n3A_51 : vector<512x4xi1>, vector<512x4xi32>
    %eq3A_62 = arith.constant 2 : i32
    %eq3A_63 = vector.broadcast %eq3A_62 : i32 to vector<512x4xi32>
    %eq3A_64 = arith.cmpi eq, %iota3A_39, %eq3A_63 : vector<512x4xi32>
    %mul3A_65 = arith.constant 4096 : i32
    %mul3A_66 = arith.muli %arg0, %mul3A_65 : i32
    %add3A_67 = vector.broadcast %mul3A_66 : i32 to vector<512x1xi32>
    %add3A_68 = arith.addi %reshape3A_31, %add3A_67 : vector<512x1xi32>
    %broadcast_in_dim3A_69 = vector.shape_cast %add3A_68 : vector<512x1xi32> to vector<512x1xi32>
    %broadcast_in_dim3A_70 = vector.broadcast %broadcast_in_dim3A_69 : vector<512x1xi32> to vector<512x4xi32>
    %select_n3A_71 = arith.select %eq3A_64, %broadcast_in_dim3A_70, %select_n3A_61 : vector<512x4xi1>, vector<512x4xi32>
    %eq3A_72 = arith.constant 3 : i32
    %eq3A_73 = vector.broadcast %eq3A_72 : i32 to vector<512x4xi32>
    %eq3A_74 = arith.cmpi eq, %iota3A_39, %eq3A_73 : vector<512x4xi32>
    %mul3A_75 = arith.constant 4096 : i32
    %mul3A_76 = arith.muli %arg0, %mul3A_75 : i32
    %add3A_77 = vector.broadcast %mul3A_76 : i32 to vector<512x1xi32>
    %add3A_78 = arith.addi %reshape3A_38, %add3A_77 : vector<512x1xi32>
    %broadcast_in_dim3A_79 = vector.shape_cast %add3A_78 : vector<512x1xi32> to vector<512x1xi32>
    %broadcast_in_dim3A_80 = vector.broadcast %broadcast_in_dim3A_79 : vector<512x1xi32> to vector<512x4xi32>
    %select_n3A_81 = arith.select %eq3A_74, %broadcast_in_dim3A_80, %select_n3A_71 : vector<512x4xi1>, vector<512x4xi32>
    %swap3A = arith.constant 0 : index
    %swap3A_82 = arith.constant 0 : index
    %swap3A_83 = arith.constant 0 : index
    %swap3A_84 = vector.load %arg4[%swap3A, %swap3A_82, %swap3A_83] : memref<1x512x4xi32, #tpu.memory_space<vmem>>, vector<1x512x4xi32>
    %swap3A_85 = vector.shape_cast %swap3A_84 : vector<1x512x4xi32> to vector<512x4xi32>
    %swap3A_86 = vector.shape_cast %select_n3A_81 : vector<512x4xi32> to vector<1x512x4xi32>
    tpu.vector_store %arg4[%swap3A, %swap3A_82, %swap3A_83], %swap3A_86 {strides = array<i32>} : memref<1x512x4xi32, #tpu.memory_space<vmem>>, vector<1x512x4xi32>,
    return
  }
  func.func @transform_0(%arg0: i32, %arg1: i32) -> (i32, i32, i32) {
    %c0_i32 = arith.constant 0 : i32
    %c0_i32_0 = arith.constant 0 : i32
    %c0_i32_1 = arith.constant 0 : i32
    return %arg0, %c0_i32, %c0_i32_0 : i32, i32, i32
  }
  func.func @transform_1(%arg0: i32, %arg1: i32) -> (i32, i32, i32) {
    %c0_i32 = arith.constant 0 : i32
    %c0_i32_0 = arith.constant 0 : i32
    return %arg0, %c0_i32, %arg1 : i32, i32, i32
  }
  func.func @transform_2(%arg0: i32, %arg1: i32) -> (i32, i32, i32) {
    %c0_i32 = arith.constant 0 : i32
    %c0_i32_0 = arith.constant 0 : i32
    return %arg0, %arg1, %c0_i32 : i32, i32, i32
  }
}

module attributes {stable_mosaic.version = 14 : i64} {
  func.func @_mlp_body(%arg0: i32, %arg1: i32, %arg2: memref<1x1x1024x32xf32, #tpu.memory_space<vmem>>, %arg3: memref<1x1x1024x32xf32, #tpu.memory_space<vmem>>, %arg4: memref<1x1x1024x32xf32, #tpu.memory_space<vmem>>, %arg5: memref<1x1x1024x32xf32, #tpu.memory_space<vmem>>, %arg6: memref<1x32x1024xf32, #tpu.memory_space<vmem>>, %arg7: memref<1x4x1024xf32, #tpu.memory_space<vmem>>, %arg8: memref<32x256xf32, #tpu.memory_space<vmem>>, %arg9: memref<1x256xf32, #tpu.memory_space<vmem>>, %arg10: memref<1x256xf32, #tpu.memory_space<vmem>>, %arg11: memref<1x256xf32, #tpu.memory_space<vmem>>, %arg12: memref<256x64xf32, #tpu.memory_space<vmem>>, %arg13: memref<1x64xf32, #tpu.memory_space<vmem>>, %arg14: memref<64x128xf32, #tpu.memory_space<vmem>>, %arg15: memref<1x128xf32, #tpu.memory_space<vmem>>, %arg16: memref<1x128xf32, #tpu.memory_space<vmem>>, %arg17: memref<1x128xf32, #tpu.memory_space<vmem>>, %arg18: memref<1x128xf32, #tpu.memory_space<vmem>>, %arg19: memref<1x1xf32, #tpu.memory_space<vmem>>, %arg20: memref<32x64xf32, #tpu.memory_space<vmem>>, %arg21: memref<1x64xf32, #tpu.memory_space<vmem>>, %arg22: memref<1x68x1024xf32, #tpu.memory_space<vmem>>) attributes {dimension_semantics = [#tpu.dimension_semantics<arbitrary>, #tpu.dimension_semantics<arbitrary>], iteration_bounds = array<i64: 4, 4>, scalar_prefetch = 0 : i64, scratch_operands = 0 : i64, tpu.core_type = #tpu.core_type<tc>, window_params = [{transform_indices = @transform_0, window_bounds = array<i64: 1, 1, 1024, 32>}, {transform_indices = @transform_1, window_bounds = array<i64: 1, 1, 1024, 32>}, {transform_indices = @transform_2, window_bounds = array<i64: 1, 1, 1024, 32>}, {transform_indices = @transform_3, window_bounds = array<i64: 1, 1, 1024, 32>}, {transform_indices = @transform_4, window_bounds = array<i64: 1, 32, 1024>}, {transform_indices = @transform_5, window_bounds = array<i64: 1, 4, 1024>}, {pipeline_mode = #tpu.pipeline_mode<synchronous>, transform_indices = @transform_6, window_bounds = array<i64: 32, 256>}, {pipeline_mode = #tpu.pipeline_mode<synchronous>, transform_indices = @transform_7, window_bounds = array<i64: 1, 256>}, {pipeline_mode = #tpu.pipeline_mode<synchronous>, transform_indices = @transform_8, window_bounds = array<i64: 1, 256>}, {pipeline_mode = #tpu.pipeline_mode<synchronous>, transform_indices = @transform_9, window_bounds = array<i64: 1, 256>}, {pipeline_mode = #tpu.pipeline_mode<synchronous>, transform_indices = @transform_10, window_bounds = array<i64: 256, 64>}, {pipeline_mode = #tpu.pipeline_mode<synchronous>, transform_indices = @transform_11, window_bounds = array<i64: 1, 64>}, {pipeline_mode = #tpu.pipeline_mode<synchronous>, transform_indices = @transform_12, window_bounds = array<i64: 64, 128>}, {pipeline_mode = #tpu.pipeline_mode<synchronous>, transform_indices = @transform_13, window_bounds = array<i64: 1, 128>}, {pipeline_mode = #tpu.pipeline_mode<synchronous>, transform_indices = @transform_14, window_bounds = array<i64: 1, 128>}, {pipeline_mode = #tpu.pipeline_mode<synchronous>, transform_indices = @transform_15, window_bounds = array<i64: 1, 128>}, {pipeline_mode = #tpu.pipeline_mode<synchronous>, transform_indices = @transform_16, window_bounds = array<i64: 1, 128>}, {pipeline_mode = #tpu.pipeline_mode<synchronous>, transform_indices = @transform_17, window_bounds = array<i64: 1, 1>}, {pipeline_mode = #tpu.pipeline_mode<synchronous>, transform_indices = @transform_18, window_bounds = array<i64: 32, 64>}, {pipeline_mode = #tpu.pipeline_mode<synchronous>, transform_indices = @transform_19, window_bounds = array<i64: 1, 64>}, {transform_indices = @transform_20, window_bounds = array<i64: 1, 68, 1024>}]} {
    %get3A = arith.constant 0 : index
    %get3A_0 = arith.constant 0 : index
    %get3A_1 = vector.load %arg8[%get3A, %get3A_0] : memref<32x256xf32, #tpu.memory_space<vmem>>, vector<32x256xf32>
    %get3A_2 = arith.constant 0 : index
    %get3A_3 = arith.constant 0 : index
    %get3A_4 = vector.load %arg9[%get3A_2, %get3A_3] : memref<1x256xf32, #tpu.memory_space<vmem>>, vector<1x256xf32>
    %get3A_5 = arith.constant 0 : index
    %get3A_6 = arith.constant 0 : index
    %get3A_7 = vector.load %arg10[%get3A_5, %get3A_6] : memref<1x256xf32, #tpu.memory_space<vmem>>, vector<1x256xf32>
    %get3A_8 = arith.constant 0 : index
    %get3A_9 = arith.constant 0 : index
    %get3A_10 = vector.load %arg11[%get3A_8, %get3A_9] : memref<1x256xf32, #tpu.memory_space<vmem>>, vector<1x256xf32>
    %get3A_11 = arith.constant 0 : index
    %get3A_12 = arith.constant 0 : index
    %get3A_13 = vector.load %arg12[%get3A_11, %get3A_12] : memref<256x64xf32, #tpu.memory_space<vmem>>, vector<256x64xf32>
    %get3A_14 = arith.constant 0 : index
    %get3A_15 = arith.constant 0 : index
    %get3A_16 = vector.load %arg13[%get3A_14, %get3A_15] : memref<1x64xf32, #tpu.memory_space<vmem>>, vector<1x64xf32>
    %get3A_17 = arith.constant 0 : index
    %get3A_18 = arith.constant 0 : index
    %get3A_19 = vector.load %arg14[%get3A_17, %get3A_18] : memref<64x128xf32, #tpu.memory_space<vmem>>, vector<64x128xf32>
    %get3A_20 = arith.constant 0 : index
    %get3A_21 = arith.constant 0 : index
    %get3A_22 = vector.load %arg15[%get3A_20, %get3A_21] : memref<1x128xf32, #tpu.memory_space<vmem>>, vector<1x128xf32>
    %get3A_23 = arith.constant 0 : index
    %get3A_24 = arith.constant 0 : index
    %get3A_25 = vector.load %arg16[%get3A_23, %get3A_24] : memref<1x128xf32, #tpu.memory_space<vmem>>, vector<1x128xf32>
    %get3A_26 = arith.constant 0 : index
    %get3A_27 = arith.constant 0 : index
    %get3A_28 = vector.load %arg17[%get3A_26, %get3A_27] : memref<1x128xf32, #tpu.memory_space<vmem>>, vector<1x128xf32>
    %get3A_29 = arith.constant 0 : index
    %get3A_30 = arith.constant 0 : index
    %get3A_31 = vector.load %arg18[%get3A_29, %get3A_30] : memref<1x128xf32, #tpu.memory_space<vmem>>, vector<1x128xf32>
    %get3A_32 = arith.constant 0 : index
    %get3A_33 = arith.constant 0 : index
    %get3A_34 = vector.load %arg19[%get3A_32, %get3A_33] : memref<1x1xf32, #tpu.memory_space<vmem>>, vector<1x1xf32>
    %get3A_35 = vector.extract %get3A_34[0, 0] : f32 from vector<1x1xf32>
    %get3A_36 = arith.constant 0 : index
    %get3A_37 = arith.constant 0 : index
    %get3A_38 = arith.constant 0 : index
    %get3A_39 = vector.load %arg6[%get3A_36, %get3A_37, %get3A_38] : memref<1x32x1024xf32, #tpu.memory_space<vmem>>, vector<1x32x1024xf32>
    %get3A_40 = vector.shape_cast %get3A_39 : vector<1x32x1024xf32> to vector<32x1024xf32>
    %get3A_41 = arith.constant 0 : index
    %get3A_42 = arith.constant 0 : index
    %get3A_43 = arith.constant 0 : index
    %get3A_44 = arith.constant 0 : index
    %get3A_45 = vector.load %arg2[%get3A_41, %get3A_42, %get3A_43, %get3A_44] : memref<1x1x1024x32xf32, #tpu.memory_space<vmem>>, vector<1x1x1024x32xf32>
    %get3A_46 = vector.shape_cast %get3A_45 : vector<1x1x1024x32xf32> to vector<1024x32xf32>
    %get3A_47 = arith.constant 0 : index
    %get3A_48 = arith.constant 0 : index
    %get3A_49 = arith.constant 0 : index
    %get3A_50 = arith.constant 0 : index
    %get3A_51 = vector.load %arg3[%get3A_47, %get3A_48, %get3A_49, %get3A_50] : memref<1x1x1024x32xf32, #tpu.memory_space<vmem>>, vector<1x1x1024x32xf32>
    %get3A_52 = vector.shape_cast %get3A_51 : vector<1x1x1024x32xf32> to vector<1024x32xf32>
    %get3A_53 = arith.constant 0 : index
    %get3A_54 = arith.constant 0 : index
    %get3A_55 = arith.constant 0 : index
    %get3A_56 = arith.constant 0 : index
    %get3A_57 = vector.load %arg4[%get3A_53, %get3A_54, %get3A_55, %get3A_56] : memref<1x1x1024x32xf32, #tpu.memory_space<vmem>>, vector<1x1x1024x32xf32>
    %get3A_58 = vector.shape_cast %get3A_57 : vector<1x1x1024x32xf32> to vector<1024x32xf32>
    %get3A_59 = arith.constant 0 : index
    %get3A_60 = arith.constant 0 : index
    %get3A_61 = arith.constant 0 : index
    %get3A_62 = arith.constant 0 : index
    %get3A_63 = vector.load %arg5[%get3A_59, %get3A_60, %get3A_61, %get3A_62] : memref<1x1x1024x32xf32, #tpu.memory_space<vmem>>, vector<1x1x1024x32xf32>
    %get3A_64 = vector.shape_cast %get3A_63 : vector<1x1x1024x32xf32> to vector<1024x32xf32>
    %dot_general3A = arith.constant dense<0.000000e+00> : vector<1024x256xf32>
    %dot_general3A_65 = tpu.matmul %get3A_46, %get3A_1, %dot_general3A {dimension_numbers = #tpu.dot_dimension_numbers<[1], [0], [0], [1], [0, 0, 1, 1], [], []>, transpose_lhs_hint = false} : vector<1024x32xf32>, vector<32x256xf32>, vector<1024x256xf32> -> vector<1024x256xf32>
    %add3A = vector.broadcast %get3A_4 : vector<1x256xf32> to vector<1024x256xf32>
    %add3A_66 = arith.addf %dot_general3A_65, %add3A : vector<1024x256xf32>
    %reduce_sum3A = arith.constant dense<0.000000e+00> : vector<1024xf32>
    %reduce_sum3A_67 = vector.multi_reduction <add>, %add3A_66, %reduce_sum3A [1] : vector<1024x256xf32> to vector<1024xf32>
    %broadcast_in_dim3A = vector.shape_cast %reduce_sum3A_67 : vector<1024xf32> to vector<1024x1xf32>
    %div3A = arith.constant 2.560000e+02 : f32
    %div3A_68 = vector.broadcast %div3A : f32 to vector<1024x1xf32>
    %div3A_69 = arith.divf %broadcast_in_dim3A, %div3A_68 : vector<1024x1xf32>
    %sub3A = vector.broadcast %div3A_69 : vector<1024x1xf32> to vector<1024x256xf32>
    %sub3A_70 = arith.subf %add3A_66, %sub3A : vector<1024x256xf32>
    %integer_pow3A = arith.mulf %sub3A_70, %sub3A_70 : vector<1024x256xf32>
    %reduce_sum3A_71 = arith.constant dense<0.000000e+00> : vector<1024xf32>
    %reduce_sum3A_72 = vector.multi_reduction <add>, %integer_pow3A, %reduce_sum3A_71 [1] : vector<1024x256xf32> to vector<1024xf32>
    %broadcast_in_dim3A_73 = vector.shape_cast %reduce_sum3A_72 : vector<1024xf32> to vector<1024x1xf32>
    %div3A_74 = arith.constant 2.560000e+02 : f32
    %div3A_75 = vector.broadcast %div3A_74 : f32 to vector<1024x1xf32>
    %div3A_76 = arith.divf %broadcast_in_dim3A_73, %div3A_75 : vector<1024x1xf32>
    %sub3A_77 = vector.broadcast %div3A_69 : vector<1024x1xf32> to vector<1024x256xf32>
    %sub3A_78 = arith.subf %add3A_66, %sub3A_77 : vector<1024x256xf32>
    %add3A_79 = arith.constant 9.99999974E-6 : f32
    %add3A_80 = vector.broadcast %add3A_79 : f32 to vector<1024x1xf32>
    %add3A_81 = arith.addf %div3A_76, %add3A_80 : vector<1024x1xf32>
    %sqrt3A = math.sqrt %add3A_81 : vector<1024x1xf32>
    %div3A_82 = vector.broadcast %sqrt3A : vector<1024x1xf32> to vector<1024x256xf32>
    %div3A_83 = arith.divf %sub3A_78, %div3A_82 : vector<1024x256xf32>
    %mul3A = vector.broadcast %get3A_7 : vector<1x256xf32> to vector<1024x256xf32>
    %mul3A_84 = arith.mulf %div3A_83, %mul3A : vector<1024x256xf32>
    %add3A_85 = vector.broadcast %get3A_10 : vector<1x256xf32> to vector<1024x256xf32>
    %add3A_86 = arith.addf %mul3A_84, %add3A_85 : vector<1024x256xf32>
    %mul3A_87 = arith.constant 5.000000e-01 : f32
    %mul3A_88 = vector.broadcast %mul3A_87 : f32 to vector<1024x256xf32>
    %mul3A_89 = arith.mulf %mul3A_88, %add3A_86 : vector<1024x256xf32>
    %div3A_90 = arith.constant 1.41421354 : f32
    %div3A_91 = vector.broadcast %div3A_90 : f32 to vector<1024x256xf32>
    %div3A_92 = arith.divf %add3A_86, %div3A_91 : vector<1024x256xf32>
    %erf3A = math.erf %div3A_92 : vector<1024x256xf32>
    %add3A_93 = arith.constant 1.000000e+00 : f32
    %add3A_94 = vector.broadcast %add3A_93 : f32 to vector<1024x256xf32>
    %add3A_95 = arith.addf %add3A_94, %erf3A : vector<1024x256xf32>
    %mul3A_96 = arith.mulf %mul3A_89, %add3A_95 : vector<1024x256xf32>
    %dot_general3A_97 = arith.constant dense<0.000000e+00> : vector<1024x64xf32>
    %dot_general3A_98 = tpu.matmul %mul3A_96, %get3A_13, %dot_general3A_97 {dimension_numbers = #tpu.dot_dimension_numbers<[1], [0], [0], [1], [0, 0, 1, 1], [], []>, transpose_lhs_hint = false} : vector<1024x256xf32>, vector<256x64xf32>, vector<1024x64xf32> -> vector<1024x64xf32>
    %add3A_99 = vector.broadcast %get3A_16 : vector<1x64xf32> to vector<1024x64xf32>
    %add3A_100 = arith.addf %dot_general3A_98, %add3A_99 : vector<1024x64xf32>
    %dot_general3A_101 = arith.constant dense<0.000000e+00> : vector<1024x128xf32>
    %dot_general3A_102 = tpu.matmul %add3A_100, %get3A_19, %dot_general3A_101 {dimension_numbers = #tpu.dot_dimension_numbers<[1], [0], [0], [1], [0, 0, 1, 1], [], []>, transpose_lhs_hint = false} : vector<1024x64xf32>, vector<64x128xf32>, vector<1024x128xf32> -> vector<1024x128xf32>
    %add3A_103 = vector.broadcast %get3A_22 : vector<1x128xf32> to vector<1024x128xf32>
    %add3A_104 = arith.addf %dot_general3A_102, %add3A_103 : vector<1024x128xf32>
    %reduce_sum3A_105 = arith.constant dense<0.000000e+00> : vector<1024xf32>
    %reduce_sum3A_106 = vector.multi_reduction <add>, %add3A_104, %reduce_sum3A_105 [1] : vector<1024x128xf32> to vector<1024xf32>
    %broadcast_in_dim3A_107 = vector.shape_cast %reduce_sum3A_106 : vector<1024xf32> to vector<1024x1xf32>
    %div3A_108 = arith.constant 1.280000e+02 : f32
    %div3A_109 = vector.broadcast %div3A_108 : f32 to vector<1024x1xf32>
    %div3A_110 = arith.divf %broadcast_in_dim3A_107, %div3A_109 : vector<1024x1xf32>
    %sub3A_111 = vector.broadcast %div3A_110 : vector<1024x1xf32> to vector<1024x128xf32>
    %sub3A_112 = arith.subf %add3A_104, %sub3A_111 : vector<1024x128xf32>
    %integer_pow3A_113 = arith.mulf %sub3A_112, %sub3A_112 : vector<1024x128xf32>
    %reduce_sum3A_114 = arith.constant dense<0.000000e+00> : vector<1024xf32>
    %reduce_sum3A_115 = vector.multi_reduction <add>, %integer_pow3A_113, %reduce_sum3A_114 [1] : vector<1024x128xf32> to vector<1024xf32>
    %broadcast_in_dim3A_116 = vector.shape_cast %reduce_sum3A_115 : vector<1024xf32> to vector<1024x1xf32>
    %div3A_117 = arith.constant 1.280000e+02 : f32
    %div3A_118 = vector.broadcast %div3A_117 : f32 to vector<1024x1xf32>
    %div3A_119 = arith.divf %broadcast_in_dim3A_116, %div3A_118 : vector<1024x1xf32>
    %sub3A_120 = vector.broadcast %div3A_110 : vector<1024x1xf32> to vector<1024x128xf32>
    %sub3A_121 = arith.subf %add3A_104, %sub3A_120 : vector<1024x128xf32>
    %add3A_122 = arith.constant 9.99999974E-6 : f32
    %add3A_123 = vector.broadcast %add3A_122 : f32 to vector<1024x1xf32>
    %add3A_124 = arith.addf %div3A_119, %add3A_123 : vector<1024x1xf32>
    %sqrt3A_125 = math.sqrt %add3A_124 : vector<1024x1xf32>
    %div3A_126 = vector.broadcast %sqrt3A_125 : vector<1024x1xf32> to vector<1024x128xf32>
    %div3A_127 = arith.divf %sub3A_121, %div3A_126 : vector<1024x128xf32>
    %mul3A_128 = vector.broadcast %get3A_25 : vector<1x128xf32> to vector<1024x128xf32>
    %mul3A_129 = arith.mulf %div3A_127, %mul3A_128 : vector<1024x128xf32>
    %add3A_130 = vector.broadcast %get3A_28 : vector<1x128xf32> to vector<1024x128xf32>
    %add3A_131 = arith.addf %mul3A_129, %add3A_130 : vector<1024x128xf32>
    %mul3A_132 = arith.constant 5.000000e-01 : f32
    %mul3A_133 = vector.broadcast %mul3A_132 : f32 to vector<1024x128xf32>
    %mul3A_134 = arith.mulf %mul3A_133, %add3A_131 : vector<1024x128xf32>
    %div3A_135 = arith.constant 1.41421354 : f32
    %div3A_136 = vector.broadcast %div3A_135 : f32 to vector<1024x128xf32>
    %div3A_137 = arith.divf %add3A_131, %div3A_136 : vector<1024x128xf32>
    %erf3A_138 = math.erf %div3A_137 : vector<1024x128xf32>
    %add3A_139 = arith.constant 1.000000e+00 : f32
    %add3A_140 = vector.broadcast %add3A_139 : f32 to vector<1024x128xf32>
    %add3A_141 = arith.addf %add3A_140, %erf3A_138 : vector<1024x128xf32>
    %mul3A_142 = arith.mulf %mul3A_134, %add3A_141 : vector<1024x128xf32>
    %mul3A_143 = vector.broadcast %get3A_31 : vector<1x128xf32> to vector<1024x128xf32>
    %mul3A_144 = arith.mulf %mul3A_142, %mul3A_143 : vector<1024x128xf32>
    %reduce_sum3A_145 = arith.constant dense<0.000000e+00> : vector<1024xf32>
    %reduce_sum3A_146 = vector.multi_reduction <add>, %mul3A_144, %reduce_sum3A_145 [1] : vector<1024x128xf32> to vector<1024xf32>
    %broadcast_in_dim3A_147 = vector.shape_cast %reduce_sum3A_146 : vector<1024xf32> to vector<1024x1xf32>
    %add3A_148 = vector.broadcast %get3A_35 : f32 to vector<1024x1xf32>
    %add3A_149 = arith.addf %broadcast_in_dim3A_147, %add3A_148 : vector<1024x1xf32>
    %dot_general3A_150 = arith.constant dense<0.000000e+00> : vector<1024x256xf32>
    %dot_general3A_151 = tpu.matmul %get3A_52, %get3A_1, %dot_general3A_150 {dimension_numbers = #tpu.dot_dimension_numbers<[1], [0], [0], [1], [0, 0, 1, 1], [], []>, transpose_lhs_hint = false} : vector<1024x32xf32>, vector<32x256xf32>, vector<1024x256xf32> -> vector<1024x256xf32>
    %add3A_152 = vector.broadcast %get3A_4 : vector<1x256xf32> to vector<1024x256xf32>
    %add3A_153 = arith.addf %dot_general3A_151, %add3A_152 : vector<1024x256xf32>
    %reduce_sum3A_154 = arith.constant dense<0.000000e+00> : vector<1024xf32>
    %reduce_sum3A_155 = vector.multi_reduction <add>, %add3A_153, %reduce_sum3A_154 [1] : vector<1024x256xf32> to vector<1024xf32>
    %broadcast_in_dim3A_156 = vector.shape_cast %reduce_sum3A_155 : vector<1024xf32> to vector<1024x1xf32>
    %div3A_157 = arith.constant 2.560000e+02 : f32
    %div3A_158 = vector.broadcast %div3A_157 : f32 to vector<1024x1xf32>
    %div3A_159 = arith.divf %broadcast_in_dim3A_156, %div3A_158 : vector<1024x1xf32>
    %sub3A_160 = vector.broadcast %div3A_159 : vector<1024x1xf32> to vector<1024x256xf32>
    %sub3A_161 = arith.subf %add3A_153, %sub3A_160 : vector<1024x256xf32>
    %integer_pow3A_162 = arith.mulf %sub3A_161, %sub3A_161 : vector<1024x256xf32>
    %reduce_sum3A_163 = arith.constant dense<0.000000e+00> : vector<1024xf32>
    %reduce_sum3A_164 = vector.multi_reduction <add>, %integer_pow3A_162, %reduce_sum3A_163 [1] : vector<1024x256xf32> to vector<1024xf32>
    %broadcast_in_dim3A_165 = vector.shape_cast %reduce_sum3A_164 : vector<1024xf32> to vector<1024x1xf32>
    %div3A_166 = arith.constant 2.560000e+02 : f32
    %div3A_167 = vector.broadcast %div3A_166 : f32 to vector<1024x1xf32>
    %div3A_168 = arith.divf %broadcast_in_dim3A_165, %div3A_167 : vector<1024x1xf32>
    %sub3A_169 = vector.broadcast %div3A_159 : vector<1024x1xf32> to vector<1024x256xf32>
    %sub3A_170 = arith.subf %add3A_153, %sub3A_169 : vector<1024x256xf32>
    %add3A_171 = arith.constant 9.99999974E-6 : f32
    %add3A_172 = vector.broadcast %add3A_171 : f32 to vector<1024x1xf32>
    %add3A_173 = arith.addf %div3A_168, %add3A_172 : vector<1024x1xf32>
    %sqrt3A_174 = math.sqrt %add3A_173 : vector<1024x1xf32>
    %div3A_175 = vector.broadcast %sqrt3A_174 : vector<1024x1xf32> to vector<1024x256xf32>
    %div3A_176 = arith.divf %sub3A_170, %div3A_175 : vector<1024x256xf32>
    %mul3A_177 = vector.broadcast %get3A_7 : vector<1x256xf32> to vector<1024x256xf32>
    %mul3A_178 = arith.mulf %div3A_176, %mul3A_177 : vector<1024x256xf32>
    %add3A_179 = vector.broadcast %get3A_10 : vector<1x256xf32> to vector<1024x256xf32>
    %add3A_180 = arith.addf %mul3A_178, %add3A_179 : vector<1024x256xf32>
    %mul3A_181 = arith.constant 5.000000e-01 : f32
    %mul3A_182 = vector.broadcast %mul3A_181 : f32 to vector<1024x256xf32>
    %mul3A_183 = arith.mulf %mul3A_182, %add3A_180 : vector<1024x256xf32>
    %div3A_184 = arith.constant 1.41421354 : f32
    %div3A_185 = vector.broadcast %div3A_184 : f32 to vector<1024x256xf32>
    %div3A_186 = arith.divf %add3A_180, %div3A_185 : vector<1024x256xf32>
    %erf3A_187 = math.erf %div3A_186 : vector<1024x256xf32>
    %add3A_188 = arith.constant 1.000000e+00 : f32
    %add3A_189 = vector.broadcast %add3A_188 : f32 to vector<1024x256xf32>
    %add3A_190 = arith.addf %add3A_189, %erf3A_187 : vector<1024x256xf32>
    %mul3A_191 = arith.mulf %mul3A_183, %add3A_190 : vector<1024x256xf32>
    %dot_general3A_192 = arith.constant dense<0.000000e+00> : vector<1024x64xf32>
    %dot_general3A_193 = tpu.matmul %mul3A_191, %get3A_13, %dot_general3A_192 {dimension_numbers = #tpu.dot_dimension_numbers<[1], [0], [0], [1], [0, 0, 1, 1], [], []>, transpose_lhs_hint = false} : vector<1024x256xf32>, vector<256x64xf32>, vector<1024x64xf32> -> vector<1024x64xf32>
    %add3A_194 = vector.broadcast %get3A_16 : vector<1x64xf32> to vector<1024x64xf32>
    %add3A_195 = arith.addf %dot_general3A_193, %add3A_194 : vector<1024x64xf32>
    %dot_general3A_196 = arith.constant dense<0.000000e+00> : vector<1024x128xf32>
    %dot_general3A_197 = tpu.matmul %add3A_195, %get3A_19, %dot_general3A_196 {dimension_numbers = #tpu.dot_dimension_numbers<[1], [0], [0], [1], [0, 0, 1, 1], [], []>, transpose_lhs_hint = false} : vector<1024x64xf32>, vector<64x128xf32>, vector<1024x128xf32> -> vector<1024x128xf32>
    %add3A_198 = vector.broadcast %get3A_22 : vector<1x128xf32> to vector<1024x128xf32>
    %add3A_199 = arith.addf %dot_general3A_197, %add3A_198 : vector<1024x128xf32>
    %reduce_sum3A_200 = arith.constant dense<0.000000e+00> : vector<1024xf32>
    %reduce_sum3A_201 = vector.multi_reduction <add>, %add3A_199, %reduce_sum3A_200 [1] : vector<1024x128xf32> to vector<1024xf32>
    %broadcast_in_dim3A_202 = vector.shape_cast %reduce_sum3A_201 : vector<1024xf32> to vector<1024x1xf32>
    %div3A_203 = arith.constant 1.280000e+02 : f32
    %div3A_204 = vector.broadcast %div3A_203 : f32 to vector<1024x1xf32>
    %div3A_205 = arith.divf %broadcast_in_dim3A_202, %div3A_204 : vector<1024x1xf32>
    %sub3A_206 = vector.broadcast %div3A_205 : vector<1024x1xf32> to vector<1024x128xf32>
    %sub3A_207 = arith.subf %add3A_199, %sub3A_206 : vector<1024x128xf32>
    %integer_pow3A_208 = arith.mulf %sub3A_207, %sub3A_207 : vector<1024x128xf32>
    %reduce_sum3A_209 = arith.constant dense<0.000000e+00> : vector<1024xf32>
    %reduce_sum3A_210 = vector.multi_reduction <add>, %integer_pow3A_208, %reduce_sum3A_209 [1] : vector<1024x128xf32> to vector<1024xf32>
    %broadcast_in_dim3A_211 = vector.shape_cast %reduce_sum3A_210 : vector<1024xf32> to vector<1024x1xf32>
    %div3A_212 = arith.constant 1.280000e+02 : f32
    %div3A_213 = vector.broadcast %div3A_212 : f32 to vector<1024x1xf32>
    %div3A_214 = arith.divf %broadcast_in_dim3A_211, %div3A_213 : vector<1024x1xf32>
    %sub3A_215 = vector.broadcast %div3A_205 : vector<1024x1xf32> to vector<1024x128xf32>
    %sub3A_216 = arith.subf %add3A_199, %sub3A_215 : vector<1024x128xf32>
    %add3A_217 = arith.constant 9.99999974E-6 : f32
    %add3A_218 = vector.broadcast %add3A_217 : f32 to vector<1024x1xf32>
    %add3A_219 = arith.addf %div3A_214, %add3A_218 : vector<1024x1xf32>
    %sqrt3A_220 = math.sqrt %add3A_219 : vector<1024x1xf32>
    %div3A_221 = vector.broadcast %sqrt3A_220 : vector<1024x1xf32> to vector<1024x128xf32>
    %div3A_222 = arith.divf %sub3A_216, %div3A_221 : vector<1024x128xf32>
    %mul3A_223 = vector.broadcast %get3A_25 : vector<1x128xf32> to vector<1024x128xf32>
    %mul3A_224 = arith.mulf %div3A_222, %mul3A_223 : vector<1024x128xf32>
    %add3A_225 = vector.broadcast %get3A_28 : vector<1x128xf32> to vector<1024x128xf32>
    %add3A_226 = arith.addf %mul3A_224, %add3A_225 : vector<1024x128xf32>
    %mul3A_227 = arith.constant 5.000000e-01 : f32
    %mul3A_228 = vector.broadcast %mul3A_227 : f32 to vector<1024x128xf32>
    %mul3A_229 = arith.mulf %mul3A_228, %add3A_226 : vector<1024x128xf32>
    %div3A_230 = arith.constant 1.41421354 : f32
    %div3A_231 = vector.broadcast %div3A_230 : f32 to vector<1024x128xf32>
    %div3A_232 = arith.divf %add3A_226, %div3A_231 : vector<1024x128xf32>
    %erf3A_233 = math.erf %div3A_232 : vector<1024x128xf32>
    %add3A_234 = arith.constant 1.000000e+00 : f32
    %add3A_235 = vector.broadcast %add3A_234 : f32 to vector<1024x128xf32>
    %add3A_236 = arith.addf %add3A_235, %erf3A_233 : vector<1024x128xf32>
    %mul3A_237 = arith.mulf %mul3A_229, %add3A_236 : vector<1024x128xf32>
    %mul3A_238 = vector.broadcast %get3A_31 : vector<1x128xf32> to vector<1024x128xf32>
    %mul3A_239 = arith.mulf %mul3A_237, %mul3A_238 : vector<1024x128xf32>
    %reduce_sum3A_240 = arith.constant dense<0.000000e+00> : vector<1024xf32>
    %reduce_sum3A_241 = vector.multi_reduction <add>, %mul3A_239, %reduce_sum3A_240 [1] : vector<1024x128xf32> to vector<1024xf32>
    %broadcast_in_dim3A_242 = vector.shape_cast %reduce_sum3A_241 : vector<1024xf32> to vector<1024x1xf32>
    %add3A_243 = vector.broadcast %get3A_35 : f32 to vector<1024x1xf32>
    %add3A_244 = arith.addf %broadcast_in_dim3A_242, %add3A_243 : vector<1024x1xf32>
    %dot_general3A_245 = arith.constant dense<0.000000e+00> : vector<1024x256xf32>
    %dot_general3A_246 = tpu.matmul %get3A_58, %get3A_1, %dot_general3A_245 {dimension_numbers = #tpu.dot_dimension_numbers<[1], [0], [0], [1], [0, 0, 1, 1], [], []>, transpose_lhs_hint = false} : vector<1024x32xf32>, vector<32x256xf32>, vector<1024x256xf32> -> vector<1024x256xf32>
    %add3A_247 = vector.broadcast %get3A_4 : vector<1x256xf32> to vector<1024x256xf32>
    %add3A_248 = arith.addf %dot_general3A_246, %add3A_247 : vector<1024x256xf32>
    %reduce_sum3A_249 = arith.constant dense<0.000000e+00> : vector<1024xf32>
    %reduce_sum3A_250 = vector.multi_reduction <add>, %add3A_248, %reduce_sum3A_249 [1] : vector<1024x256xf32> to vector<1024xf32>
    %broadcast_in_dim3A_251 = vector.shape_cast %reduce_sum3A_250 : vector<1024xf32> to vector<1024x1xf32>
    %div3A_252 = arith.constant 2.560000e+02 : f32
    %div3A_253 = vector.broadcast %div3A_252 : f32 to vector<1024x1xf32>
    %div3A_254 = arith.divf %broadcast_in_dim3A_251, %div3A_253 : vector<1024x1xf32>
    %sub3A_255 = vector.broadcast %div3A_254 : vector<1024x1xf32> to vector<1024x256xf32>
    %sub3A_256 = arith.subf %add3A_248, %sub3A_255 : vector<1024x256xf32>
    %integer_pow3A_257 = arith.mulf %sub3A_256, %sub3A_256 : vector<1024x256xf32>
    %reduce_sum3A_258 = arith.constant dense<0.000000e+00> : vector<1024xf32>
    %reduce_sum3A_259 = vector.multi_reduction <add>, %integer_pow3A_257, %reduce_sum3A_258 [1] : vector<1024x256xf32> to vector<1024xf32>
    %broadcast_in_dim3A_260 = vector.shape_cast %reduce_sum3A_259 : vector<1024xf32> to vector<1024x1xf32>
    %div3A_261 = arith.constant 2.560000e+02 : f32
    %div3A_262 = vector.broadcast %div3A_261 : f32 to vector<1024x1xf32>
    %div3A_263 = arith.divf %broadcast_in_dim3A_260, %div3A_262 : vector<1024x1xf32>
    %sub3A_264 = vector.broadcast %div3A_254 : vector<1024x1xf32> to vector<1024x256xf32>
    %sub3A_265 = arith.subf %add3A_248, %sub3A_264 : vector<1024x256xf32>
    %add3A_266 = arith.constant 9.99999974E-6 : f32
    %add3A_267 = vector.broadcast %add3A_266 : f32 to vector<1024x1xf32>
    %add3A_268 = arith.addf %div3A_263, %add3A_267 : vector<1024x1xf32>
    %sqrt3A_269 = math.sqrt %add3A_268 : vector<1024x1xf32>
    %div3A_270 = vector.broadcast %sqrt3A_269 : vector<1024x1xf32> to vector<1024x256xf32>
    %div3A_271 = arith.divf %sub3A_265, %div3A_270 : vector<1024x256xf32>
    %mul3A_272 = vector.broadcast %get3A_7 : vector<1x256xf32> to vector<1024x256xf32>
    %mul3A_273 = arith.mulf %div3A_271, %mul3A_272 : vector<1024x256xf32>
    %add3A_274 = vector.broadcast %get3A_10 : vector<1x256xf32> to vector<1024x256xf32>
    %add3A_275 = arith.addf %mul3A_273, %add3A_274 : vector<1024x256xf32>
    %mul3A_276 = arith.constant 5.000000e-01 : f32
    %mul3A_277 = vector.broadcast %mul3A_276 : f32 to vector<1024x256xf32>
    %mul3A_278 = arith.mulf %mul3A_277, %add3A_275 : vector<1024x256xf32>
    %div3A_279 = arith.constant 1.41421354 : f32
    %div3A_280 = vector.broadcast %div3A_279 : f32 to vector<1024x256xf32>
    %div3A_281 = arith.divf %add3A_275, %div3A_280 : vector<1024x256xf32>
    %erf3A_282 = math.erf %div3A_281 : vector<1024x256xf32>
    %add3A_283 = arith.constant 1.000000e+00 : f32
    %add3A_284 = vector.broadcast %add3A_283 : f32 to vector<1024x256xf32>
    %add3A_285 = arith.addf %add3A_284, %erf3A_282 : vector<1024x256xf32>
    %mul3A_286 = arith.mulf %mul3A_278, %add3A_285 : vector<1024x256xf32>
    %dot_general3A_287 = arith.constant dense<0.000000e+00> : vector<1024x64xf32>
    %dot_general3A_288 = tpu.matmul %mul3A_286, %get3A_13, %dot_general3A_287 {dimension_numbers = #tpu.dot_dimension_numbers<[1], [0], [0], [1], [0, 0, 1, 1], [], []>, transpose_lhs_hint = false} : vector<1024x256xf32>, vector<256x64xf32>, vector<1024x64xf32> -> vector<1024x64xf32>
    %add3A_289 = vector.broadcast %get3A_16 : vector<1x64xf32> to vector<1024x64xf32>
    %add3A_290 = arith.addf %dot_general3A_288, %add3A_289 : vector<1024x64xf32>
    %dot_general3A_291 = arith.constant dense<0.000000e+00> : vector<1024x128xf32>
    %dot_general3A_292 = tpu.matmul %add3A_290, %get3A_19, %dot_general3A_291 {dimension_numbers = #tpu.dot_dimension_numbers<[1], [0], [0], [1], [0, 0, 1, 1], [], []>, transpose_lhs_hint = false} : vector<1024x64xf32>, vector<64x128xf32>, vector<1024x128xf32> -> vector<1024x128xf32>
    %add3A_293 = vector.broadcast %get3A_22 : vector<1x128xf32> to vector<1024x128xf32>
    %add3A_294 = arith.addf %dot_general3A_292, %add3A_293 : vector<1024x128xf32>
    %reduce_sum3A_295 = arith.constant dense<0.000000e+00> : vector<1024xf32>
    %reduce_sum3A_296 = vector.multi_reduction <add>, %add3A_294, %reduce_sum3A_295 [1] : vector<1024x128xf32> to vector<1024xf32>
    %broadcast_in_dim3A_297 = vector.shape_cast %reduce_sum3A_296 : vector<1024xf32> to vector<1024x1xf32>
    %div3A_298 = arith.constant 1.280000e+02 : f32
    %div3A_299 = vector.broadcast %div3A_298 : f32 to vector<1024x1xf32>
    %div3A_300 = arith.divf %broadcast_in_dim3A_297, %div3A_299 : vector<1024x1xf32>
    %sub3A_301 = vector.broadcast %div3A_300 : vector<1024x1xf32> to vector<1024x128xf32>
    %sub3A_302 = arith.subf %add3A_294, %sub3A_301 : vector<1024x128xf32>
    %integer_pow3A_303 = arith.mulf %sub3A_302, %sub3A_302 : vector<1024x128xf32>
    %reduce_sum3A_304 = arith.constant dense<0.000000e+00> : vector<1024xf32>
    %reduce_sum3A_305 = vector.multi_reduction <add>, %integer_pow3A_303, %reduce_sum3A_304 [1] : vector<1024x128xf32> to vector<1024xf32>
    %broadcast_in_dim3A_306 = vector.shape_cast %reduce_sum3A_305 : vector<1024xf32> to vector<1024x1xf32>
    %div3A_307 = arith.constant 1.280000e+02 : f32
    %div3A_308 = vector.broadcast %div3A_307 : f32 to vector<1024x1xf32>
    %div3A_309 = arith.divf %broadcast_in_dim3A_306, %div3A_308 : vector<1024x1xf32>
    %sub3A_310 = vector.broadcast %div3A_300 : vector<1024x1xf32> to vector<1024x128xf32>
    %sub3A_311 = arith.subf %add3A_294, %sub3A_310 : vector<1024x128xf32>
    %add3A_312 = arith.constant 9.99999974E-6 : f32
    %add3A_313 = vector.broadcast %add3A_312 : f32 to vector<1024x1xf32>
    %add3A_314 = arith.addf %div3A_309, %add3A_313 : vector<1024x1xf32>
    %sqrt3A_315 = math.sqrt %add3A_314 : vector<1024x1xf32>
    %div3A_316 = vector.broadcast %sqrt3A_315 : vector<1024x1xf32> to vector<1024x128xf32>
    %div3A_317 = arith.divf %sub3A_311, %div3A_316 : vector<1024x128xf32>
    %mul3A_318 = vector.broadcast %get3A_25 : vector<1x128xf32> to vector<1024x128xf32>
    %mul3A_319 = arith.mulf %div3A_317, %mul3A_318 : vector<1024x128xf32>
    %add3A_320 = vector.broadcast %get3A_28 : vector<1x128xf32> to vector<1024x128xf32>
    %add3A_321 = arith.addf %mul3A_319, %add3A_320 : vector<1024x128xf32>
    %mul3A_322 = arith.constant 5.000000e-01 : f32
    %mul3A_323 = vector.broadcast %mul3A_322 : f32 to vector<1024x128xf32>
    %mul3A_324 = arith.mulf %mul3A_323, %add3A_321 : vector<1024x128xf32>
    %div3A_325 = arith.constant 1.41421354 : f32
    %div3A_326 = vector.broadcast %div3A_325 : f32 to vector<1024x128xf32>
    %div3A_327 = arith.divf %add3A_321, %div3A_326 : vector<1024x128xf32>
    %erf3A_328 = math.erf %div3A_327 : vector<1024x128xf32>
    %add3A_329 = arith.constant 1.000000e+00 : f32
    %add3A_330 = vector.broadcast %add3A_329 : f32 to vector<1024x128xf32>
    %add3A_331 = arith.addf %add3A_330, %erf3A_328 : vector<1024x128xf32>
    %mul3A_332 = arith.mulf %mul3A_324, %add3A_331 : vector<1024x128xf32>
    %mul3A_333 = vector.broadcast %get3A_31 : vector<1x128xf32> to vector<1024x128xf32>
    %mul3A_334 = arith.mulf %mul3A_332, %mul3A_333 : vector<1024x128xf32>
    %reduce_sum3A_335 = arith.constant dense<0.000000e+00> : vector<1024xf32>
    %reduce_sum3A_336 = vector.multi_reduction <add>, %mul3A_334, %reduce_sum3A_335 [1] : vector<1024x128xf32> to vector<1024xf32>
    %broadcast_in_dim3A_337 = vector.shape_cast %reduce_sum3A_336 : vector<1024xf32> to vector<1024x1xf32>
    %add3A_338 = vector.broadcast %get3A_35 : f32 to vector<1024x1xf32>
    %add3A_339 = arith.addf %broadcast_in_dim3A_337, %add3A_338 : vector<1024x1xf32>
    %dot_general3A_340 = arith.constant dense<0.000000e+00> : vector<1024x256xf32>
    %dot_general3A_341 = tpu.matmul %get3A_64, %get3A_1, %dot_general3A_340 {dimension_numbers = #tpu.dot_dimension_numbers<[1], [0], [0], [1], [0, 0, 1, 1], [], []>, transpose_lhs_hint = false} : vector<1024x32xf32>, vector<32x256xf32>, vector<1024x256xf32> -> vector<1024x256xf32>
    %add3A_342 = vector.broadcast %get3A_4 : vector<1x256xf32> to vector<1024x256xf32>
    %add3A_343 = arith.addf %dot_general3A_341, %add3A_342 : vector<1024x256xf32>
    %reduce_sum3A_344 = arith.constant dense<0.000000e+00> : vector<1024xf32>
    %reduce_sum3A_345 = vector.multi_reduction <add>, %add3A_343, %reduce_sum3A_344 [1] : vector<1024x256xf32> to vector<1024xf32>
    %broadcast_in_dim3A_346 = vector.shape_cast %reduce_sum3A_345 : vector<1024xf32> to vector<1024x1xf32>
    %div3A_347 = arith.constant 2.560000e+02 : f32
    %div3A_348 = vector.broadcast %div3A_347 : f32 to vector<1024x1xf32>
    %div3A_349 = arith.divf %broadcast_in_dim3A_346, %div3A_348 : vector<1024x1xf32>
    %sub3A_350 = vector.broadcast %div3A_349 : vector<1024x1xf32> to vector<1024x256xf32>
    %sub3A_351 = arith.subf %add3A_343, %sub3A_350 : vector<1024x256xf32>
    %integer_pow3A_352 = arith.mulf %sub3A_351, %sub3A_351 : vector<1024x256xf32>
    %reduce_sum3A_353 = arith.constant dense<0.000000e+00> : vector<1024xf32>
    %reduce_sum3A_354 = vector.multi_reduction <add>, %integer_pow3A_352, %reduce_sum3A_353 [1] : vector<1024x256xf32> to vector<1024xf32>
    %broadcast_in_dim3A_355 = vector.shape_cast %reduce_sum3A_354 : vector<1024xf32> to vector<1024x1xf32>
    %div3A_356 = arith.constant 2.560000e+02 : f32
    %div3A_357 = vector.broadcast %div3A_356 : f32 to vector<1024x1xf32>
    %div3A_358 = arith.divf %broadcast_in_dim3A_355, %div3A_357 : vector<1024x1xf32>
    %sub3A_359 = vector.broadcast %div3A_349 : vector<1024x1xf32> to vector<1024x256xf32>
    %sub3A_360 = arith.subf %add3A_343, %sub3A_359 : vector<1024x256xf32>
    %add3A_361 = arith.constant 9.99999974E-6 : f32
    %add3A_362 = vector.broadcast %add3A_361 : f32 to vector<1024x1xf32>
    %add3A_363 = arith.addf %div3A_358, %add3A_362 : vector<1024x1xf32>
    %sqrt3A_364 = math.sqrt %add3A_363 : vector<1024x1xf32>
    %div3A_365 = vector.broadcast %sqrt3A_364 : vector<1024x1xf32> to vector<1024x256xf32>
    %div3A_366 = arith.divf %sub3A_360, %div3A_365 : vector<1024x256xf32>
    %mul3A_367 = vector.broadcast %get3A_7 : vector<1x256xf32> to vector<1024x256xf32>
    %mul3A_368 = arith.mulf %div3A_366, %mul3A_367 : vector<1024x256xf32>
    %add3A_369 = vector.broadcast %get3A_10 : vector<1x256xf32> to vector<1024x256xf32>
    %add3A_370 = arith.addf %mul3A_368, %add3A_369 : vector<1024x256xf32>
    %mul3A_371 = arith.constant 5.000000e-01 : f32
    %mul3A_372 = vector.broadcast %mul3A_371 : f32 to vector<1024x256xf32>
    %mul3A_373 = arith.mulf %mul3A_372, %add3A_370 : vector<1024x256xf32>
    %div3A_374 = arith.constant 1.41421354 : f32
    %div3A_375 = vector.broadcast %div3A_374 : f32 to vector<1024x256xf32>
    %div3A_376 = arith.divf %add3A_370, %div3A_375 : vector<1024x256xf32>
    %erf3A_377 = math.erf %div3A_376 : vector<1024x256xf32>
    %add3A_378 = arith.constant 1.000000e+00 : f32
    %add3A_379 = vector.broadcast %add3A_378 : f32 to vector<1024x256xf32>
    %add3A_380 = arith.addf %add3A_379, %erf3A_377 : vector<1024x256xf32>
    %mul3A_381 = arith.mulf %mul3A_373, %add3A_380 : vector<1024x256xf32>
    %dot_general3A_382 = arith.constant dense<0.000000e+00> : vector<1024x64xf32>
    %dot_general3A_383 = tpu.matmul %mul3A_381, %get3A_13, %dot_general3A_382 {dimension_numbers = #tpu.dot_dimension_numbers<[1], [0], [0], [1], [0, 0, 1, 1], [], []>, transpose_lhs_hint = false} : vector<1024x256xf32>, vector<256x64xf32>, vector<1024x64xf32> -> vector<1024x64xf32>
    %add3A_384 = vector.broadcast %get3A_16 : vector<1x64xf32> to vector<1024x64xf32>
    %add3A_385 = arith.addf %dot_general3A_383, %add3A_384 : vector<1024x64xf32>
    %dot_general3A_386 = arith.constant dense<0.000000e+00> : vector<1024x128xf32>
    %dot_general3A_387 = tpu.matmul %add3A_385, %get3A_19, %dot_general3A_386 {dimension_numbers = #tpu.dot_dimension_numbers<[1], [0], [0], [1], [0, 0, 1, 1], [], []>, transpose_lhs_hint = false} : vector<1024x64xf32>, vector<64x128xf32>, vector<1024x128xf32> -> vector<1024x128xf32>
    %add3A_388 = vector.broadcast %get3A_22 : vector<1x128xf32> to vector<1024x128xf32>
    %add3A_389 = arith.addf %dot_general3A_387, %add3A_388 : vector<1024x128xf32>
    %reduce_sum3A_390 = arith.constant dense<0.000000e+00> : vector<1024xf32>
    %reduce_sum3A_391 = vector.multi_reduction <add>, %add3A_389, %reduce_sum3A_390 [1] : vector<1024x128xf32> to vector<1024xf32>
    %broadcast_in_dim3A_392 = vector.shape_cast %reduce_sum3A_391 : vector<1024xf32> to vector<1024x1xf32>
    %div3A_393 = arith.constant 1.280000e+02 : f32
    %div3A_394 = vector.broadcast %div3A_393 : f32 to vector<1024x1xf32>
    %div3A_395 = arith.divf %broadcast_in_dim3A_392, %div3A_394 : vector<1024x1xf32>
    %sub3A_396 = vector.broadcast %div3A_395 : vector<1024x1xf32> to vector<1024x128xf32>
    %sub3A_397 = arith.subf %add3A_389, %sub3A_396 : vector<1024x128xf32>
    %integer_pow3A_398 = arith.mulf %sub3A_397, %sub3A_397 : vector<1024x128xf32>
    %reduce_sum3A_399 = arith.constant dense<0.000000e+00> : vector<1024xf32>
    %reduce_sum3A_400 = vector.multi_reduction <add>, %integer_pow3A_398, %reduce_sum3A_399 [1] : vector<1024x128xf32> to vector<1024xf32>
    %broadcast_in_dim3A_401 = vector.shape_cast %reduce_sum3A_400 : vector<1024xf32> to vector<1024x1xf32>
    %div3A_402 = arith.constant 1.280000e+02 : f32
    %div3A_403 = vector.broadcast %div3A_402 : f32 to vector<1024x1xf32>
    %div3A_404 = arith.divf %broadcast_in_dim3A_401, %div3A_403 : vector<1024x1xf32>
    %sub3A_405 = vector.broadcast %div3A_395 : vector<1024x1xf32> to vector<1024x128xf32>
    %sub3A_406 = arith.subf %add3A_389, %sub3A_405 : vector<1024x128xf32>
    %add3A_407 = arith.constant 9.99999974E-6 : f32
    %add3A_408 = vector.broadcast %add3A_407 : f32 to vector<1024x1xf32>
    %add3A_409 = arith.addf %div3A_404, %add3A_408 : vector<1024x1xf32>
    %sqrt3A_410 = math.sqrt %add3A_409 : vector<1024x1xf32>
    %div3A_411 = vector.broadcast %sqrt3A_410 : vector<1024x1xf32> to vector<1024x128xf32>
    %div3A_412 = arith.divf %sub3A_406, %div3A_411 : vector<1024x128xf32>
    %mul3A_413 = vector.broadcast %get3A_25 : vector<1x128xf32> to vector<1024x128xf32>
    %mul3A_414 = arith.mulf %div3A_412, %mul3A_413 : vector<1024x128xf32>
    %add3A_415 = vector.broadcast %get3A_28 : vector<1x128xf32> to vector<1024x128xf32>
    %add3A_416 = arith.addf %mul3A_414, %add3A_415 : vector<1024x128xf32>
    %mul3A_417 = arith.constant 5.000000e-01 : f32
    %mul3A_418 = vector.broadcast %mul3A_417 : f32 to vector<1024x128xf32>
    %mul3A_419 = arith.mulf %mul3A_418, %add3A_416 : vector<1024x128xf32>
    %div3A_420 = arith.constant 1.41421354 : f32
    %div3A_421 = vector.broadcast %div3A_420 : f32 to vector<1024x128xf32>
    %div3A_422 = arith.divf %add3A_416, %div3A_421 : vector<1024x128xf32>
    %erf3A_423 = math.erf %div3A_422 : vector<1024x128xf32>
    %add3A_424 = arith.constant 1.000000e+00 : f32
    %add3A_425 = vector.broadcast %add3A_424 : f32 to vector<1024x128xf32>
    %add3A_426 = arith.addf %add3A_425, %erf3A_423 : vector<1024x128xf32>
    %mul3A_427 = arith.mulf %mul3A_419, %add3A_426 : vector<1024x128xf32>
    %mul3A_428 = vector.broadcast %get3A_31 : vector<1x128xf32> to vector<1024x128xf32>
    %mul3A_429 = arith.mulf %mul3A_427, %mul3A_428 : vector<1024x128xf32>
    %reduce_sum3A_430 = arith.constant dense<0.000000e+00> : vector<1024xf32>
    %reduce_sum3A_431 = vector.multi_reduction <add>, %mul3A_429, %reduce_sum3A_430 [1] : vector<1024x128xf32> to vector<1024xf32>
    %broadcast_in_dim3A_432 = vector.shape_cast %reduce_sum3A_431 : vector<1024xf32> to vector<1024x1xf32>
    %add3A_433 = vector.broadcast %get3A_35 : f32 to vector<1024x1xf32>
    %add3A_434 = arith.addf %broadcast_in_dim3A_432, %add3A_433 : vector<1024x1xf32>
    %dot_general3A_435 = arith.constant dense<0.000000e+00> : vector<1024x256xf32>
    %dot_general3A_436 = tpu.matmul %get3A_40, %get3A_1, %dot_general3A_435 {dimension_numbers = #tpu.dot_dimension_numbers<[0], [0], [1], [1], [0, 1, 1, 1], [], []>, transpose_lhs_hint = false} : vector<32x1024xf32>, vector<32x256xf32>, vector<1024x256xf32> -> vector<1024x256xf32>
    %add3A_437 = vector.broadcast %get3A_4 : vector<1x256xf32> to vector<1024x256xf32>
    %add3A_438 = arith.addf %dot_general3A_436, %add3A_437 : vector<1024x256xf32>
    %reduce_sum3A_439 = arith.constant dense<0.000000e+00> : vector<1024xf32>
    %reduce_sum3A_440 = vector.multi_reduction <add>, %add3A_438, %reduce_sum3A_439 [1] : vector<1024x256xf32> to vector<1024xf32>
    %broadcast_in_dim3A_441 = vector.shape_cast %reduce_sum3A_440 : vector<1024xf32> to vector<1024x1xf32>
    %div3A_442 = arith.constant 2.560000e+02 : f32
    %div3A_443 = vector.broadcast %div3A_442 : f32 to vector<1024x1xf32>
    %div3A_444 = arith.divf %broadcast_in_dim3A_441, %div3A_443 : vector<1024x1xf32>
    %sub3A_445 = vector.broadcast %div3A_444 : vector<1024x1xf32> to vector<1024x256xf32>
    %sub3A_446 = arith.subf %add3A_438, %sub3A_445 : vector<1024x256xf32>
    %integer_pow3A_447 = arith.mulf %sub3A_446, %sub3A_446 : vector<1024x256xf32>
    %reduce_sum3A_448 = arith.constant dense<0.000000e+00> : vector<1024xf32>
    %reduce_sum3A_449 = vector.multi_reduction <add>, %integer_pow3A_447, %reduce_sum3A_448 [1] : vector<1024x256xf32> to vector<1024xf32>
    %broadcast_in_dim3A_450 = vector.shape_cast %reduce_sum3A_449 : vector<1024xf32> to vector<1024x1xf32>
    %div3A_451 = arith.constant 2.560000e+02 : f32
    %div3A_452 = vector.broadcast %div3A_451 : f32 to vector<1024x1xf32>
    %div3A_453 = arith.divf %broadcast_in_dim3A_450, %div3A_452 : vector<1024x1xf32>
    %sub3A_454 = vector.broadcast %div3A_444 : vector<1024x1xf32> to vector<1024x256xf32>
    %sub3A_455 = arith.subf %add3A_438, %sub3A_454 : vector<1024x256xf32>
    %add3A_456 = arith.constant 9.99999974E-6 : f32
    %add3A_457 = vector.broadcast %add3A_456 : f32 to vector<1024x1xf32>
    %add3A_458 = arith.addf %div3A_453, %add3A_457 : vector<1024x1xf32>
    %sqrt3A_459 = math.sqrt %add3A_458 : vector<1024x1xf32>
    %div3A_460 = vector.broadcast %sqrt3A_459 : vector<1024x1xf32> to vector<1024x256xf32>
    %div3A_461 = arith.divf %sub3A_455, %div3A_460 : vector<1024x256xf32>
    %mul3A_462 = vector.broadcast %get3A_7 : vector<1x256xf32> to vector<1024x256xf32>
    %mul3A_463 = arith.mulf %div3A_461, %mul3A_462 : vector<1024x256xf32>
    %add3A_464 = vector.broadcast %get3A_10 : vector<1x256xf32> to vector<1024x256xf32>
    %add3A_465 = arith.addf %mul3A_463, %add3A_464 : vector<1024x256xf32>
    %mul3A_466 = arith.constant 5.000000e-01 : f32
    %mul3A_467 = vector.broadcast %mul3A_466 : f32 to vector<1024x256xf32>
    %mul3A_468 = arith.mulf %mul3A_467, %add3A_465 : vector<1024x256xf32>
    %div3A_469 = arith.constant 1.41421354 : f32
    %div3A_470 = vector.broadcast %div3A_469 : f32 to vector<1024x256xf32>
    %div3A_471 = arith.divf %add3A_465, %div3A_470 : vector<1024x256xf32>
    %erf3A_472 = math.erf %div3A_471 : vector<1024x256xf32>
    %add3A_473 = arith.constant 1.000000e+00 : f32
    %add3A_474 = vector.broadcast %add3A_473 : f32 to vector<1024x256xf32>
    %add3A_475 = arith.addf %add3A_474, %erf3A_472 : vector<1024x256xf32>
    %mul3A_476 = arith.mulf %mul3A_468, %add3A_475 : vector<1024x256xf32>
    %dot_general3A_477 = arith.constant dense<0.000000e+00> : vector<1024x64xf32>
    %dot_general3A_478 = tpu.matmul %mul3A_476, %get3A_13, %dot_general3A_477 {dimension_numbers = #tpu.dot_dimension_numbers<[1], [0], [0], [1], [0, 0, 1, 1], [], []>, transpose_lhs_hint = false} : vector<1024x256xf32>, vector<256x64xf32>, vector<1024x64xf32> -> vector<1024x64xf32>
    %add3A_479 = vector.broadcast %get3A_16 : vector<1x64xf32> to vector<1024x64xf32>
    %add3A_480 = arith.addf %dot_general3A_478, %add3A_479 : vector<1024x64xf32>
    %dot_general3A_481 = arith.constant dense<0.000000e+00> : vector<1024x128xf32>
    %dot_general3A_482 = tpu.matmul %add3A_480, %get3A_19, %dot_general3A_481 {dimension_numbers = #tpu.dot_dimension_numbers<[1], [0], [0], [1], [0, 0, 1, 1], [], []>, transpose_lhs_hint = false} : vector<1024x64xf32>, vector<64x128xf32>, vector<1024x128xf32> -> vector<1024x128xf32>
    %add3A_483 = vector.broadcast %get3A_22 : vector<1x128xf32> to vector<1024x128xf32>
    %add3A_484 = arith.addf %dot_general3A_482, %add3A_483 : vector<1024x128xf32>
    %reduce_sum3A_485 = arith.constant dense<0.000000e+00> : vector<1024xf32>
    %reduce_sum3A_486 = vector.multi_reduction <add>, %add3A_484, %reduce_sum3A_485 [1] : vector<1024x128xf32> to vector<1024xf32>
    %broadcast_in_dim3A_487 = vector.shape_cast %reduce_sum3A_486 : vector<1024xf32> to vector<1024x1xf32>
    %div3A_488 = arith.constant 1.280000e+02 : f32
    %div3A_489 = vector.broadcast %div3A_488 : f32 to vector<1024x1xf32>
    %div3A_490 = arith.divf %broadcast_in_dim3A_487, %div3A_489 : vector<1024x1xf32>
    %sub3A_491 = vector.broadcast %div3A_490 : vector<1024x1xf32> to vector<1024x128xf32>
    %sub3A_492 = arith.subf %add3A_484, %sub3A_491 : vector<1024x128xf32>
    %integer_pow3A_493 = arith.mulf %sub3A_492, %sub3A_492 : vector<1024x128xf32>
    %reduce_sum3A_494 = arith.constant dense<0.000000e+00> : vector<1024xf32>
    %reduce_sum3A_495 = vector.multi_reduction <add>, %integer_pow3A_493, %reduce_sum3A_494 [1] : vector<1024x128xf32> to vector<1024xf32>
    %broadcast_in_dim3A_496 = vector.shape_cast %reduce_sum3A_495 : vector<1024xf32> to vector<1024x1xf32>
    %div3A_497 = arith.constant 1.280000e+02 : f32
    %div3A_498 = vector.broadcast %div3A_497 : f32 to vector<1024x1xf32>
    %div3A_499 = arith.divf %broadcast_in_dim3A_496, %div3A_498 : vector<1024x1xf32>
    %sub3A_500 = vector.broadcast %div3A_490 : vector<1024x1xf32> to vector<1024x128xf32>
    %sub3A_501 = arith.subf %add3A_484, %sub3A_500 : vector<1024x128xf32>
    %add3A_502 = arith.constant 9.99999974E-6 : f32
    %add3A_503 = vector.broadcast %add3A_502 : f32 to vector<1024x1xf32>
    %add3A_504 = arith.addf %div3A_499, %add3A_503 : vector<1024x1xf32>
    %sqrt3A_505 = math.sqrt %add3A_504 : vector<1024x1xf32>
    %div3A_506 = vector.broadcast %sqrt3A_505 : vector<1024x1xf32> to vector<1024x128xf32>
    %div3A_507 = arith.divf %sub3A_501, %div3A_506 : vector<1024x128xf32>
    %mul3A_508 = vector.broadcast %get3A_25 : vector<1x128xf32> to vector<1024x128xf32>
    %mul3A_509 = arith.mulf %div3A_507, %mul3A_508 : vector<1024x128xf32>
    %add3A_510 = vector.broadcast %get3A_28 : vector<1x128xf32> to vector<1024x128xf32>
    %add3A_511 = arith.addf %mul3A_509, %add3A_510 : vector<1024x128xf32>
    %mul3A_512 = arith.constant 5.000000e-01 : f32
    %mul3A_513 = vector.broadcast %mul3A_512 : f32 to vector<1024x128xf32>
    %mul3A_514 = arith.mulf %mul3A_513, %add3A_511 : vector<1024x128xf32>
    %div3A_515 = arith.constant 1.41421354 : f32
    %div3A_516 = vector.broadcast %div3A_515 : f32 to vector<1024x128xf32>
    %div3A_517 = arith.divf %add3A_511, %div3A_516 : vector<1024x128xf32>
    %erf3A_518 = math.erf %div3A_517 : vector<1024x128xf32>
    %add3A_519 = arith.constant 1.000000e+00 : f32
    %add3A_520 = vector.broadcast %add3A_519 : f32 to vector<1024x128xf32>
    %add3A_521 = arith.addf %add3A_520, %erf3A_518 : vector<1024x128xf32>
    %mul3A_522 = arith.mulf %mul3A_514, %add3A_521 : vector<1024x128xf32>
    %mul3A_523 = vector.broadcast %get3A_31 : vector<1x128xf32> to vector<1024x128xf32>
    %mul3A_524 = arith.mulf %mul3A_522, %mul3A_523 : vector<1024x128xf32>
    %reduce_sum3A_525 = arith.constant dense<0.000000e+00> : vector<1024xf32>
    %reduce_sum3A_526 = vector.multi_reduction <add>, %mul3A_524, %reduce_sum3A_525 [1] : vector<1024x128xf32> to vector<1024xf32>
    %broadcast_in_dim3A_527 = vector.shape_cast %reduce_sum3A_526 : vector<1024xf32> to vector<1024x1xf32>
    %add3A_528 = vector.broadcast %get3A_35 : f32 to vector<1024x1xf32>
    %add3A_529 = arith.addf %broadcast_in_dim3A_527, %add3A_528 : vector<1024x1xf32>
    %max3A = arith.maximumf %add3A_149, %add3A_244 : vector<1024x1xf32>
    %max3A_530 = arith.maximumf %max3A, %add3A_339 : vector<1024x1xf32>
    %max3A_531 = arith.maximumf %max3A_530, %add3A_434 : vector<1024x1xf32>
    %max3A_532 = arith.maximumf %max3A_531, %add3A_529 : vector<1024x1xf32>
    %sub3A_533 = arith.subf %add3A_149, %max3A_532 : vector<1024x1xf32>
    %exp3A = math.exp %sub3A_533 : vector<1024x1xf32>
    %sub3A_534 = arith.subf %add3A_244, %max3A_532 : vector<1024x1xf32>
    %exp3A_535 = math.exp %sub3A_534 : vector<1024x1xf32>
    %sub3A_536 = arith.subf %add3A_339, %max3A_532 : vector<1024x1xf32>
    %exp3A_537 = math.exp %sub3A_536 : vector<1024x1xf32>
    %sub3A_538 = arith.subf %add3A_434, %max3A_532 : vector<1024x1xf32>
    %exp3A_539 = math.exp %sub3A_538 : vector<1024x1xf32>
    %sub3A_540 = arith.subf %add3A_529, %max3A_532 : vector<1024x1xf32>
    %exp3A_541 = math.exp %sub3A_540 : vector<1024x1xf32>
    %add3A_542 = arith.addf %exp3A, %exp3A_535 : vector<1024x1xf32>
    %add3A_543 = arith.addf %add3A_542, %exp3A_537 : vector<1024x1xf32>
    %add3A_544 = arith.addf %add3A_543, %exp3A_539 : vector<1024x1xf32>
    %add3A_545 = arith.addf %add3A_544, %exp3A_541 : vector<1024x1xf32>
    %div3A_546 = arith.divf %exp3A, %add3A_545 : vector<1024x1xf32>
    %mul3A_547 = vector.broadcast %div3A_546 : vector<1024x1xf32> to vector<1024x64xf32>
    %mul3A_548 = arith.mulf %add3A_100, %mul3A_547 : vector<1024x64xf32>
    %div3A_549 = arith.divf %exp3A_535, %add3A_545 : vector<1024x1xf32>
    %mul3A_550 = vector.broadcast %div3A_549 : vector<1024x1xf32> to vector<1024x64xf32>
    %mul3A_551 = arith.mulf %add3A_195, %mul3A_550 : vector<1024x64xf32>
    %add3A_552 = arith.addf %mul3A_548, %mul3A_551 : vector<1024x64xf32>
    %div3A_553 = arith.divf %exp3A_537, %add3A_545 : vector<1024x1xf32>
    %mul3A_554 = vector.broadcast %div3A_553 : vector<1024x1xf32> to vector<1024x64xf32>
    %mul3A_555 = arith.mulf %add3A_290, %mul3A_554 : vector<1024x64xf32>
    %add3A_556 = arith.addf %add3A_552, %mul3A_555 : vector<1024x64xf32>
    %div3A_557 = arith.divf %exp3A_539, %add3A_545 : vector<1024x1xf32>
    %mul3A_558 = vector.broadcast %div3A_557 : vector<1024x1xf32> to vector<1024x64xf32>
    %mul3A_559 = arith.mulf %add3A_385, %mul3A_558 : vector<1024x64xf32>
    %add3A_560 = arith.addf %add3A_556, %mul3A_559 : vector<1024x64xf32>
    %div3A_561 = arith.divf %exp3A_541, %add3A_545 : vector<1024x1xf32>
    %mul3A_562 = vector.broadcast %div3A_561 : vector<1024x1xf32> to vector<1024x64xf32>
    %mul3A_563 = arith.mulf %add3A_480, %mul3A_562 : vector<1024x64xf32>
    %add3A_564 = arith.addf %add3A_560, %mul3A_563 : vector<1024x64xf32>
    %get3A_565 = arith.constant 0 : index
    %get3A_566 = arith.constant 0 : index
    %get3A_567 = vector.load %arg20[%get3A_565, %get3A_566] : memref<32x64xf32, #tpu.memory_space<vmem>>, vector<32x64xf32>
    %dot_general3A_568 = arith.constant dense<0.000000e+00> : vector<1024x64xf32>
    %dot_general3A_569 = tpu.matmul %get3A_40, %get3A_567, %dot_general3A_568 {dimension_numbers = #tpu.dot_dimension_numbers<[0], [0], [1], [1], [0, 1, 1, 1], [], []>, transpose_lhs_hint = false} : vector<32x1024xf32>, vector<32x64xf32>, vector<1024x64xf32> -> vector<1024x64xf32>
    %get3A_570 = arith.constant 0 : index
    %get3A_571 = arith.constant 0 : index
    %get3A_572 = vector.load %arg21[%get3A_570, %get3A_571] : memref<1x64xf32, #tpu.memory_space<vmem>>, vector<1x64xf32>
    %add3A_573 = vector.broadcast %get3A_572 : vector<1x64xf32> to vector<1024x64xf32>
    %add3A_574 = arith.addf %dot_general3A_569, %add3A_573 : vector<1024x64xf32>
    %add3A_575 = arith.addf %add3A_564, %add3A_574 : vector<1024x64xf32>
    %transpose3A = tpu.transpose %add3A_575, [1, 0] : vector<1024x64xf32> -> vector<64x1024xf32>
    %get3A_576 = arith.constant 0 : index
    %get3A_577 = arith.constant 0 : index
    %get3A_578 = arith.constant 0 : index
    %get3A_579 = vector.load %arg7[%get3A_576, %get3A_577, %get3A_578] : memref<1x4x1024xf32, #tpu.memory_space<vmem>>, vector<1x4x1024xf32>
    %get3A_580 = vector.shape_cast %get3A_579 : vector<1x4x1024xf32> to vector<4x1024xf32>
    %concatenate3A = tpu.concatenate %get3A_580, %transpose3A in 0 : vector<4x1024xf32>, vector<64x1024xf32> -> vector<68x1024xf32>
    %swap3A = arith.constant 0 : index
    %swap3A_581 = arith.constant 0 : index
    %swap3A_582 = arith.constant 0 : index
    %swap3A_583 = vector.load %arg22[%swap3A, %swap3A_581, %swap3A_582] : memref<1x68x1024xf32, #tpu.memory_space<vmem>>, vector<1x68x1024xf32>
    %swap3A_584 = vector.shape_cast %swap3A_583 : vector<1x68x1024xf32> to vector<68x1024xf32>
    %swap3A_585 = vector.shape_cast %concatenate3A : vector<68x1024xf32> to vector<1x68x1024xf32>
    tpu.vector_store %arg22[%swap3A, %swap3A_581, %swap3A_582], %swap3A_585 {strides = array<i32>} : memref<1x68x1024xf32, #tpu.memory_space<vmem>>, vector<1x68x1024xf32>,
    return
  }
  func.func @transform_0(%arg0: i32, %arg1: i32) -> (i32, i32, i32, i32) {
    %c0_i32 = arith.constant 0 : i32
    %c0_i32_0 = arith.constant 0 : i32
    %c0_i32_1 = arith.constant 0 : i32
    return %arg0, %c0_i32, %arg1, %c0_i32_0 : i32, i32, i32, i32
  }
  func.func @transform_1(%arg0: i32, %arg1: i32) -> (i32, i32, i32, i32) {
    %c1_i32 = arith.constant 1 : i32
    %c0_i32 = arith.constant 0 : i32
    %c0_i32_0 = arith.constant 0 : i32
    return %arg0, %c1_i32, %arg1, %c0_i32 : i32, i32, i32, i32
  }
  func.func @transform_2(%arg0: i32, %arg1: i32) -> (i32, i32, i32, i32) {
    %c2_i32 = arith.constant 2 : i32
    %c0_i32 = arith.constant 0 : i32
    %c0_i32_0 = arith.constant 0 : i32
    return %arg0, %c2_i32, %arg1, %c0_i32 : i32, i32, i32, i32
  }
  func.func @transform_3(%arg0: i32, %arg1: i32) -> (i32, i32, i32, i32) {
    %c3_i32 = arith.constant 3 : i32
    %c0_i32 = arith.constant 0 : i32
    %c0_i32_0 = arith.constant 0 : i32
    return %arg0, %c3_i32, %arg1, %c0_i32 : i32, i32, i32, i32
  }
  func.func @transform_4(%arg0: i32, %arg1: i32) -> (i32, i32, i32) {
    %c0_i32 = arith.constant 0 : i32
    %c0_i32_0 = arith.constant 0 : i32
    return %arg0, %c0_i32, %arg1 : i32, i32, i32
  }
  func.func @transform_5(%arg0: i32, %arg1: i32) -> (i32, i32, i32) {
    %c0_i32 = arith.constant 0 : i32
    %c0_i32_0 = arith.constant 0 : i32
    return %arg0, %c0_i32, %arg1 : i32, i32, i32
  }
  func.func @transform_6(%arg0: i32, %arg1: i32) -> (i32, i32) {
    %c0_i32 = arith.constant 0 : i32
    %c0_i32_0 = arith.constant 0 : i32
    %c0_i32_1 = arith.constant 0 : i32
    return %c0_i32, %c0_i32_0 : i32, i32
  }
  func.func @transform_7(%arg0: i32, %arg1: i32) -> (i32, i32) {
    %c0_i32 = arith.constant 0 : i32
    %c0_i32_0 = arith.constant 0 : i32
    %c0_i32_1 = arith.constant 0 : i32
    return %c0_i32, %c0_i32_0 : i32, i32
  }
  func.func @transform_8(%arg0: i32, %arg1: i32) -> (i32, i32) {
    %c0_i32 = arith.constant 0 : i32
    %c0_i32_0 = arith.constant 0 : i32
    %c0_i32_1 = arith.constant 0 : i32
    return %c0_i32, %c0_i32_0 : i32, i32
  }
  func.func @transform_9(%arg0: i32, %arg1: i32) -> (i32, i32) {
    %c0_i32 = arith.constant 0 : i32
    %c0_i32_0 = arith.constant 0 : i32
    %c0_i32_1 = arith.constant 0 : i32
    return %c0_i32, %c0_i32_0 : i32, i32
  }
  func.func @transform_10(%arg0: i32, %arg1: i32) -> (i32, i32) {
    %c0_i32 = arith.constant 0 : i32
    %c0_i32_0 = arith.constant 0 : i32
    %c0_i32_1 = arith.constant 0 : i32
    return %c0_i32, %c0_i32_0 : i32, i32
  }
  func.func @transform_11(%arg0: i32, %arg1: i32) -> (i32, i32) {
    %c0_i32 = arith.constant 0 : i32
    %c0_i32_0 = arith.constant 0 : i32
    %c0_i32_1 = arith.constant 0 : i32
    return %c0_i32, %c0_i32_0 : i32, i32
  }
  func.func @transform_12(%arg0: i32, %arg1: i32) -> (i32, i32) {
    %c0_i32 = arith.constant 0 : i32
    %c0_i32_0 = arith.constant 0 : i32
    %c0_i32_1 = arith.constant 0 : i32
    return %c0_i32, %c0_i32_0 : i32, i32
  }
  func.func @transform_13(%arg0: i32, %arg1: i32) -> (i32, i32) {
    %c0_i32 = arith.constant 0 : i32
    %c0_i32_0 = arith.constant 0 : i32
    %c0_i32_1 = arith.constant 0 : i32
    return %c0_i32, %c0_i32_0 : i32, i32
  }
  func.func @transform_14(%arg0: i32, %arg1: i32) -> (i32, i32) {
    %c0_i32 = arith.constant 0 : i32
    %c0_i32_0 = arith.constant 0 : i32
    %c0_i32_1 = arith.constant 0 : i32
    return %c0_i32, %c0_i32_0 : i32, i32
  }
  func.func @transform_15(%arg0: i32, %arg1: i32) -> (i32, i32) {
    %c0_i32 = arith.constant 0 : i32
    %c0_i32_0 = arith.constant 0 : i32
    %c0_i32_1 = arith.constant 0 : i32
    return %c0_i32, %c0_i32_0 : i32, i32
  }
  func.func @transform_16(%arg0: i32, %arg1: i32) -> (i32, i32) {
    %c0_i32 = arith.constant 0 : i32
    %c0_i32_0 = arith.constant 0 : i32
    %c0_i32_1 = arith.constant 0 : i32
    return %c0_i32, %c0_i32_0 : i32, i32
  }
  func.func @transform_17(%arg0: i32, %arg1: i32) -> (i32, i32) {
    %c0_i32 = arith.constant 0 : i32
    %c0_i32_0 = arith.constant 0 : i32
    %c0_i32_1 = arith.constant 0 : i32
    return %c0_i32, %c0_i32_0 : i32, i32
  }
  func.func @transform_18(%arg0: i32, %arg1: i32) -> (i32, i32) {
    %c0_i32 = arith.constant 0 : i32
    %c0_i32_0 = arith.constant 0 : i32
    %c0_i32_1 = arith.constant 0 : i32
    return %c0_i32, %c0_i32_0 : i32, i32
  }
  func.func @transform_19(%arg0: i32, %arg1: i32) -> (i32, i32) {
    %c0_i32 = arith.constant 0 : i32
    %c0_i32_0 = arith.constant 0 : i32
    %c0_i32_1 = arith.constant 0 : i32
    return %c0_i32, %c0_i32_0 : i32, i32
  }
  func.func @transform_20(%arg0: i32, %arg1: i32) -> (i32, i32, i32) {
    %c0_i32 = arith.constant 0 : i32
    %c0_i32_0 = arith.constant 0 : i32
    return %arg0, %c0_i32, %arg1 : i32, i32, i32
  }
}

</mosaic_0001>

<sc_bundles>
// kernel: kernel.5.cloned.1.call-start
scs
__scs_entry_jumppad:
0x0: {  	(pc) =	sbr.rel $0x88, $3  }
0x1: {  	(tag) =	ssettag $0x0;
	lr =	simm.s32 $0x1  }
0x2: {  	[smem:$0x3F92] =	sst lr;
	_ =	strace $0xD0000000  }
0x3: {  	_ = 	snop  }
0x4: {  	_ = 	snop  }
0x5: {  	_ = 	snop  }
0x6: {  	_ = 	snop  }
0x7: {  	_ = 	snop  }
__scs_overlays_trampoline_lowered:
0x8: {  	[smem:$0x3FA1] =	sst s0  }
0x9: {  	[smem:$0x3FA2] =	sst s1  }
0xa: {  	[smem:$0x3FA3] =	sst s2  }
0xb: {  	[smem:$0x3FA4] =	sst s3  }
0xc: {  	[smem:$0x3FA5] =	sst s4  }
0xd: {  	[smem:$0x3FA6] =	sst s5  }
0xe: {  	[smem:$0x3FA7] =	sst s6  }
0xf: {  	[smem:$0x3FA8] =	sst s7  }
0x10: {  	[smem:$0x3FA9] =	sst s8  }
0x11: {  	[smem:$0x3FAA] =	sst s9;
	s0 =	simm.s32 @!p0 $0x0  }
0x12: {  	s1 =	sld [smem:$0x3F90];
	s0 =	simm.s32 @p0 $0x1  }
0x13: {  	[smem:$0x3FAB] =	sst s0;
	s0 =	simm.s32 @!p1 $0x0  }
0x14: {  	s2 =	sld [smem:$0x3F8F];
	s0 =	simm.s32 @p1 $0x1  }
0x15: {  	[smem:$0x3FAC] =	sst s0;
	s0 =	simm.s32 @!p2 $0x0  }
0x16: {  	s3 =	sld [smem:$0x3FDB];
	s0 =	simm.s32 @p2 $0x1  }
0x17: {  	s4 =	simm.s32 $0x1BF5;
	[smem:$0x3FAE] =	sst s0  }
0x18: {  	s0 =	sld [smem:$0x3F91];
	_ =	swait.ge [sflag:s4], $0x0  }
0x19: {  	s7 =	sld [smem:$0x3F92]  }
0x1a: {  	s8 =	sadd.s32 $0xFFFFE003, lr  }
0x1b: {  	s9 =	sadd.s32 $0xFFFFFEF7, lr;
	s5 =	simm.s32 $0xFFFFFFFF;
	p2 =	slt.u32 s8, $0xFFFFF086  }
0x1c: {  	p1 =	slt.u32 s9, $0xF7A;
	s5 =	simm.s32 @!p2 $0x0  }
0x1d: {  	s5 =	simm.s32 @p1 $0x1;
	p0 =	seq.s32 s7, s2  }
0x1e: {  	s7 =	smul.u32 @!p0 $0xF7A, s2;
	p2 =	seq.s32 @!p0 s5, $0x0  }
0x1f: {  	s9 =	smul.u32 $0xF7A, s1;
	s8 =	simm.s32 @!p0 $0x1BF5;
	p2 =	por !p2, p0  }
0x20: {  	[sflag:s8] =	ssyncset.s32 @!p0 $0xFFFFF086;
	s6 =	sadd.s32 @!p0 s3, s7;
	s7 =	simm.s32 @!p0 $0x108  }
0x21: {  	s3 =	sadd.s32 s3, s9;
	s6 =	sadd.s32 @!p0 $0x88, s6;
	s7 =	simm.s32 @p2 $0x1082  }
0x22: {  	[simem:s7], [sflag:s8] =	dma.local @!p0 [hbm:s6], $0xF7A  }
0x23: {  	s9 =	sor.u32 $0xD0000000, s2;
	s6 =	simm.s32 $0x108;
	_ =	swait.ge @!p0 [sflag:s8], $0x0  }
0x24: {  	s3 =	sadd.s32 $0x88, s3;
	s6 =	simm.s32 @!p1 $0x1082;
	[sflag:s4] =	ssyncset.s32 $0xFFFFF086  }
0x25: {  	[simem:s6], [sflag:s4] =	dma.local [hbm:s3], $0xF7A  }
0x26: {  	[smem:$0x3F92] =	sst s1;
	(tag) =	ssettag s2;
	_ =	strace s9  }
0x27: {  	s1 =	sld [smem:$0x3FA2]  }
0x28: {  	s2 =	sld [smem:$0x3FA3]  }
0x29: {  	s4 =	sld [smem:$0x3FA5]  }
0x2a: {  	p0 =	seq.s32 s5, $0x0;
	s5 =	sld [smem:$0x3FA6]  }
0x2b: {  	s6 =	sld [smem:$0x3FA7]  }
0x2c: {  	s7 =	sld [smem:$0x3FA8]  }
0x2d: {  	s3 =	simm.s32 $0x108;
	s8 =	sld [smem:$0x3FA9]  }
0x2e: {  	s3 =	simm.s32 @!p0 $0x1082;
	s9 =	sld [smem:$0x3FAA]  }
0x2f: {  	lr =	sadd.s32 s0, s3;
	s0 =	sld [smem:$0x3FA1]  }
0x30: {  	s3 =	sld [smem:$0x3FA4]  }
0x31: {  	[smem:$0x3FAD] =	sst s10  }
0x32: {  	s10 =	sld [smem:$0x3FAB];
	_ =	sdelay $0x3  }
0x33: {  	p0 =	seq.s32 s10, $0x1;
	s10 =	sld [smem:$0x3FAD];
	_ =	sdelay $0x3  }
0x34: {  	[smem:$0x3FAD] =	sst s10  }
0x35: {  	s10 =	sld [smem:$0x3FAC];
	_ =	sdelay $0x3  }
0x36: {  	p1 =	seq.s32 s10, $0x1;
	s10 =	sld [smem:$0x3FAD];
	_ =	sdelay $0x3  }
0x37: {  	[smem:$0x3FAD] =	sst s10  }
0x38: {  	s10 =	sld [smem:$0x3FAE]  }
0x39: {  	_ = 	snop;
	(pc) =	sbr.ind lr, $3  }
0x3a: {  	_ = 	snop  }
0x3b: {  	_ = 	snop  }
0x3c: {  	p2 =	seq.s32 s10, $0x1;
	s10 =	sld [smem:$0x3FAD]  }
0x3d: {  	_ =	shalt  }
0x3e: {  	_ =	shalt  }
0x3f: {  	_ =	shalt  }
0x40: {  	_ =	shalt  }
0x41: {  	_ =	shalt  }
0x42: {  	_ =	shalt  }
0x43: {  	_ =	shalt  }
0x44: {  	_ =	shalt  }
0x45: {  	_ =	shalt  }
0x46: {  	_ =	shalt  }
0x47: {  	_ =	shalt  }
0x48: {  	_ =	shalt  }
0x49: {  	_ =	shalt  }
0x4a: {  	_ =	shalt  }
0x4b: {  	_ =	shalt  }
0x4c: {  	_ =	shalt  }
0x4d: {  	_ =	shalt  }
0x4e: {  	_ =	shalt  }
0x4f: {  	_ =	shalt  }
0x50: {  	_ =	shalt  }
0x51: {  	_ =	shalt  }
0x52: {  	_ =	shalt  }
0x53: {  	_ =	shalt  }
0x54: {  	_ =	shalt  }
0x55: {  	_ =	shalt  }
0x56: {  	_ =	shalt  }
0x57: {  	_ =	shalt  }
0x58: {  	_ =	shalt  }
0x59: {  	_ =	shalt  }
0x5a: {  	_ =	shalt  }
0x5b: {  	_ =	shalt  }
0x5c: {  	_ =	shalt  }
0x5d: {  	_ =	shalt  }
0x5e: {  	_ =	shalt  }
0x5f: {  	_ =	shalt  }
0x60: {  	_ =	shalt  }
0x61: {  	_ =	shalt  }
0x62: {  	_ =	shalt  }
0x63: {  	_ =	shalt  }
0x64: {  	_ =	shalt  }
0x65: {  	_ =	shalt  }
0x66: {  	_ =	shalt  }
0x67: {  	_ =	shalt  }
0x68: {  	_ =	shalt  }
0x69: {  	_ =	shalt  }
0x6a: {  	_ =	shalt  }
0x6b: {  	_ =	shalt  }
0x6c: {  	_ =	shalt  }
0x6d: {  	_ =	shalt  }
0x6e: {  	_ =	shalt  }
0x6f: {  	_ =	shalt  }
0x70: {  	_ =	shalt  }
0x71: {  	_ =	shalt  }
0x72: {  	_ =	shalt  }
0x73: {  	_ =	shalt  }
0x74: {  	_ =	shalt  }
0x75: {  	_ =	shalt  }
0x76: {  	_ =	shalt  }
0x77: {  	_ =	shalt  }
0x78: {  	_ =	shalt  }
0x79: {  	_ =	shalt  }
0x7a: {  	_ =	shalt  }
0x7b: {  	_ =	shalt  }
0x7c: {  	_ =	shalt  }
0x7d: {  	_ =	shalt  }
0x7e: {  	_ =	shalt  }
0x7f: {  	_ =	shalt  }
0x80: {  	_ =	shalt  }
0x81: {  	_ =	shalt  }
0x82: {  	_ =	shalt  }
0x83: {  	_ =	shalt  }
0x84: {  	_ =	shalt  }
0x85: {  	_ =	shalt  }
0x86: {  	_ =	shalt  }
0x87: {  	_ =	shalt  }
.Lfunc_end0:
.L_simem_size_0:
called_computation_lowered:
.L_overlay_start_0:
0x88: {  	s2 =	sld [smem:$0x3FD9]  }
0x89: {  	s3 =	sld [smem:$0x3FFE];
	_ =	sdelay $0x1  }
0x8a: {  	s1 =	srdreg.scid  }
0x8b: {  	s0 =	sand.u32 $0x1, s1  }
0x8c: {  	s17 =	sshll.u32 s0, $0xA;
	s2 =	sadd.s32 s3, s2  }
0x8d: {  	s2 =	sadd.s32 s2, s17  }
0x8e: {  	[smem:$0x3FB9] =	sst s2  }
0x8f: {  	_ = 	snop  }
0x90: {  	s2 =	sld [smem:$0x3FD0];
	(tm) =	ssettm $0x1  }
0x91: {  	s18 =	sld [smem:$0x3FFB];
	_ =	sdelay $0x3  }
0x92: {  	_ =	strace s18  }
0x93: {  	s3 =	sld [smem:$0x3FFC];
	_ =	sdelay $0x3  }
0x94: {  	_ =	strace s3  }
0x95: {  	s3 =	sld [smem:$0x3FFD];
	_ =	sdelay $0x3  }
0x96: {  	_ =	strace s3  }
0x97: {  	_ =	strace $0x8FFFFFFF  }
0x98: {  	s19 =	sld [smem:$0x3FDB];
	_ =	sdelay $0x1  }
0x99: {  	s4 =	simm.s32 $_scs_section_size  }
0x9a: {  	s5 =	simm.s32 $_size__tile_overlayer_lowered;
	s6 =	simm.s32 $_tile_overlayer_lowered  }
0x9b: {  	s22 =	simm.s32 $0x1BFF;
	s21 =	sshll.u32 s6, $0x1;
	s3 =	sadd.s32 s4, s19  }
0x9c: {  	s7 =	simm.s32 $0x0;
	s20 =	sshll.u32 s5, $0x1;
	s5 =	sadd.s32 s21, s3  }
0x9d: {  	[timem:s7], [sflag:s22] =	dma.local [hbm:s5], s20  }
0x9e: {  	_ =	swait.ge [sflag:s22], s20  }
0x9f: {  	s4 =	ssub.s32 $0x0, s20;
	[sflag:s22] =	ssyncset.done $0x0  }
0xa0: {  	[sflag:s22] =	ssyncadd.s32 s4;
	_ =	sdelay $0x1  }
0xa1: {  	s23 =	simm.s32 $0x1B8B  }
0xa2: {  	_ =	swait.ge [sflag:s23], $0x1  }
0xa3: {  	[sflag:s23] =	ssyncset.done $0x0  }
0xa4: {  	s25 =	simm.s32 $0x1B8E;
	s24 =	sld [smem:$0x3FFE];
	[sflag:s23] =	ssyncadd.s32 $0xFFFFFFFF  }
0xa5: {  	s26 =	simm.s32 $execute0_lowered;
	[smem:$0x3FD2] =	sst s25  }
0xa6: {  	s5 =	sshll.u32 s26, $0x1;
	_ =	strace $0x80000046;
	[dreg:$0x1] =	wrdreg $0xFFFFFFFF  }
0xa7: {  	s28 =	simm.s32 $_size_execute0_lowered;
	s3 =	sadd.s32 s3, s5;
	[dreg:$0x0] =	wrdreg $0x0  }
0xa8: {  	s5 =	sshll.u32 s28, $0x1;
	[dreg:$0x2] =	wrdreg s3  }
0xa9: {  	[dreg:$0x3] =	wrdreg s5  }
0xaa: {  	[dreg:$0x4] =	wrdreg $0xC0  }
0xab: {  	_ =	task [dreg:s7], $0x5FFFF  }
0xac: {  	[dreg:$0x1] =	wrdreg $0xFFFFFFFF  }
0xad: {  	[dreg:$0x0] =	wrdreg $0x60  }
0xae: {  	[dreg:$0x2] =	wrdreg s2  }
0xaf: {  	[dreg:$0x3] =	wrdreg s24  }
0xb0: {  	[dreg:$0x4] =	wrdreg $0x9  }
0xb1: {  	_ =	task.clear_ibuf [dreg:s7], $0x5FFFF;
	_ =	strace $0x90000046  }
0xb2: {  	s29 =	simm.s32 $0x9;
	_ =	strace $0x80000048  }
0xb3: {  	_ =	swait.ge [sflag:s29], $0x1  }
0xb4: {  	[sflag:s29] =	ssyncadd.s32 $0xFFFFFFFF  }
0xb5: {  	_ =	strace $0x90000048  }
0xb6: {  	_ =	sfence  }
0xb7: {  	s30 =	sld [smem:$0x0];
	_ =	sdelay $0x2  }
0xb8: {  	s31 =	sshll.u32 s1, $0xD;
	s1 =	sshrl.u32 s1, $0x2  }
0xb9: {  	s3 =	sand.u32 $0x4000, s31;
	s1 =	sadd.s32 s1, s30  }
0xba: {  	s0 =	sor.u32 s3, s0;
	s1 =	sshll.u32 s1, $0x11  }
0xbb: {  	s0 =	sor.u32 s1, s0  }
0xbc: {  	s0 =	sadd.s32 $0x8F2B, s0  }
0xbd: {  	[sflag:s0] =	ssyncadd.remote.s32 $0x1  }
0xbe: {  	_ =	sfence.sel $0xFFFF  }
0xbf: {  	[dreg:$0x0] =	wrdreg $0xFFFFFFFF;
	(pc) =	sbr.abs _section_cstart, $3  }
0xc0: {  	[dreg:$0x1] =	wrdreg $0xFFFFFFFF  }
0xc1: {  	_ =	task.clear_ibuf [dreg:s7], $0x2FFFF;
	_ =	strace $0x9FFFFFFF  }
0xc2: {  	(tm) =	ssettm $0x7FFFFFFF  }
0xc3: {  	_ =	shalt  }
tec
execute0_lowered:
.L_overlay_start_1:
0x0: {  	(tag) =	ssettag $0x1  }
0x1: {  	s0 =	srdreg.scid  }
0x2: {  	s1 =	stileid.u32;
	s0 =	sand.u32 $0x1, s0  }
0x3: {  	s4 =	rddreg [dreg:$0x0];
	s1 =	sshll.u32 s1, $0xC;
	s2 =	sshll.u32 s0, $0xB  }
0x4: {  	s3 =	rddreg [dreg:$0x1];
	s1 =	sor.u32 s2, s1;
	s2 =	simm.s32 $0x0  }
0x5: {  	s14 =	simm.s32 $0x100;
	s15 =	simm.s32 $0x180;
	[smem:$0x7FF] =	sst s2  }
0x6: {  	s16 =	simm.s32 $0x200;
	_ =	strace $0x80000047;
	[dreg:$0x14] =	wrdreg s14  }
0x7: {  	s17 =	simm.s32 $0x280;
	s5 =	sshrl.u32 s1, $0x3;
	[dreg:$0x15] =	wrdreg s15  }
0x8: {  	s1 =	sshll.u32 s1, $0x2;
	s5 =	sadd.s32 s5, s3;
	[dreg:$0x16] =	wrdreg s16  }
0x9: {  	s1 =	sadd.s32 s1, s3;
	[dreg:$0x17] =	wrdreg s17;
	s19 =	sadd.s32 $0x2200, s5  }
0xa: {  	s20 =	sadd.s32 $0x4200, s1;
	[dreg:$0x3] =	wrdreg s19  }
0xb: {  	s18 =	simm.s32 $0x3800;
	s21 =	sadd.s32 $0x4400, s1;
	[dreg:$0x4] =	wrdreg s20  }
0xc: {  	s28 =	simm.s32 $0x580;
	s22 =	sadd.s32 $0x4600, s1;
	[dreg:$0x5] =	wrdreg s21  }
0xd: {  	s29 =	simm.s32 $0x600;
	s23 =	sadd.s32 $0x4800, s1;
	[dreg:$0x6] =	wrdreg s22  }
0xe: {  	s30 =	simm.s32 $0x680;
	s24 =	sadd.s32 $0x4A00, s1;
	[dreg:$0x7] =	wrdreg s23  }
0xf: {  	p0 =	por $0x0, $0x0;
	s25 =	sadd.s32 $0x4C00, s1;
	[dreg:$0x8] =	wrdreg s24  }
0x10: {  	s31 =	simm.s32 $0x700;
	s26 =	sadd.s32 $0x4E00, s1;
	[dreg:$0x9] =	wrdreg s25  }
0x11: {  	s0 =	ssub.s32 $0x2, s0;
	s5 =	sadd.s32 $0x5000, s1;
	[dreg:$0xa] =	wrdreg s26  }
0x12: {  	s12 =	sshrl.u32 s0, $0x1;
	s6 =	sadd.s32 $0x5200, s1;
	[dreg:$0xb] =	wrdreg s5  }
0x13: {  	s0 =	ssub.s32 s0, s12;
	s7 =	sadd.s32 $0x5400, s1;
	[dreg:$0xc] =	wrdreg s6  }
0x14: {  	s12 =	simm.s32 $0x9800;
	s8 =	sadd.s32 $0x5600, s1;
	[dreg:$0xd] =	wrdreg s7  }
0x15: {  	s0 =	smax.u32 s0, $0x1;
	s9 =	sadd.s32 $0x5800, s1;
	[dreg:$0xe] =	wrdreg s8  }
0x16: {  	s17 =	simm.s32 $0x4800;
	s10 =	sadd.s32 $0x5A00, s1;
	[dreg:$0xf] =	wrdreg s9  }
0x17: {  	s16 =	simm.s32 $0x5800;
	s11 =	sadd.s32 $0x5C00, s1;
	[dreg:$0x10] =	wrdreg s10  }
0x18: {  	s15 =	simm.s32 $0x6800;
	s13 =	sadd.s32 $0x5E00, s1;
	[dreg:$0x11] =	wrdreg s11  }
0x19: {  	s14 =	simm.s32 $0x7800;
	s1 =	sadd.s32 $0x6000, s1;
	[dreg:$0x12] =	wrdreg s13  }
0x1a: {  	s3 =	simm.s32 $0x2;
	p1 =	sne.s32 s0, $0x1;
	[dreg:$0x13] =	wrdreg s1  }
0x1b: {  	s23 =	simm.s32 $0x3;
	s22 =	simm.s32 $0x80;
	s21 =	simm.s32 $0x800  }
0x1c: {  	s20 =	simm.s32 $0x1800;
	s19 =	simm.s32 $0x2800;
	s24 =	simm.s32 $0x300  }
0x1d: {  	s25 =	simm.s32 $0x380;
	s26 =	simm.s32 $0x400;
	s13 =	simm.s32 $0x8800  }
.Ltmp0:
0x1e: {  	s11 =	simm.s32 $0xA800;
	s10 =	simm.s32 $0xB800;
	(pc) =	sbr.rel @!p1 .LBB2_1-.Ltmp0, $4  }
0x1f: {  	s9 =	simm.s32 $0xC800;
	s7 =	simm.s32 $0xD800;
	[dreg:$0x18] =	wrdreg s24  }
0x20: {  	s8 =	simm.s32 $0xE800;
	s5 =	simm.s32 $0xF800;
	[dreg:$0x19] =	wrdreg s25  }
0x21: {  	s6 =	simm.s32 $0x1;
	[dreg:$0x1a] =	wrdreg s26;
	s26 =	simm.s32 $0x500  }
0x22: {  	s24 =	sadd.s32 $0xFFFFFFFF, s0;
	s25 =	simm.s32 $0x780;
	s0 =	rddreg [dreg:$0x3]  }
0x23: {  	[tilespmem:s2], [sflag:$0x3] =	stream.linear.gather [hbm4b:s0+s2], $0x800, $0x38;
	[tilespmem:$0x10800] =	vst v63  }
0x24: {  	_ =	swait.ge [sflag:s23], $0x800  }
0x25: {  	[sflag:s23] =	ssyncset.done $0x0  }
0x26: {  	[sflag:s23] =	ssyncadd.s32 $0xFFFFF800  }
0x27: {  	[tilespmem:s21], [sflag:$0x1] =	stream.indirect.gather [hbm4b:s4+s22], $0x20, s2, s22, $0xb8;
	[tilespmem:$0x10800] =	vst v63  }
0x28: {  	_ = 	snop  }
0x29: {  	[tilespmem:s20], [sflag:$0x1] =	stream.indirect.gather [hbm4b:s4+s22], $0x20, s22, s22, $0xb8;
	[tilespmem:$0x10800] =	vst v63  }
0x2a: {  	s0 =	rddreg [dreg:$0x14]  }
0x2b: {  	[tilespmem:s19], [sflag:$0x1] =	stream.indirect.gather [hbm4b:s4+s22], $0x20, s0, s22, $0xb8;
	[tilespmem:$0x10800] =	vst v63  }
0x2c: {  	s1 =	rddreg [dreg:$0x15]  }
0x2d: {  	[tilespmem:s18], [sflag:$0x1] =	stream.indirect.gather [hbm4b:s4+s22], $0x20, s1, s22, $0xb8;
	[tilespmem:$0x10800] =	vst v63  }
0x2e: {  	s0 =	rddreg [dreg:$0x16]  }
0x2f: {  	[tilespmem:s17], [sflag:$0x1] =	stream.indirect.gather [hbm4b:s4+s22], $0x20, s0, s22, $0xb8;
	[tilespmem:$0x10800] =	vst v63  }
0x30: {  	s1 =	rddreg [dreg:$0x17]  }
0x31: {  	[tilespmem:s16], [sflag:$0x1] =	stream.indirect.gather [hbm4b:s4+s22], $0x20, s1, s22, $0xb8;
	[tilespmem:$0x10800] =	vst v63  }
0x32: {  	s0 =	rddreg [dreg:$0x18]  }
0x33: {  	[tilespmem:s15], [sflag:$0x1] =	stream.indirect.gather [hbm4b:s4+s22], $0x20, s0, s22, $0xb8;
	[tilespmem:$0x10800] =	vst v63  }
0x34: {  	s1 =	rddreg [dreg:$0x19]  }
0x35: {  	[tilespmem:s14], [sflag:$0x1] =	stream.indirect.gather [hbm4b:s4+s22], $0x20, s1, s22, $0xb8;
	[tilespmem:$0x10800] =	vst v63  }
0x36: {  	s0 =	rddreg [dreg:$0x1a]  }
0x37: {  	[tilespmem:s13], [sflag:$0x1] =	stream.indirect.gather [hbm4b:s4+s22], $0x20, s0, s22, $0xb8;
	[tilespmem:$0x10800] =	vst v63  }
0x38: {  	s1 =	simm.s32 $0x480  }
0x39: {  	[tilespmem:s12], [sflag:$0x1] =	stream.indirect.gather [hbm4b:s4+s22], $0x20, s1, s22, $0xb8;
	[tilespmem:$0x10800] =	vst v63  }
0x3a: {  	_ = 	snop  }
0x3b: {  	[tilespmem:s11], [sflag:$0x1] =	stream.indirect.gather [hbm4b:s4+s22], $0x20, s26, s22, $0xb8;
	[tilespmem:$0x10800] =	vst v63  }
0x3c: {  	_ = 	snop  }
0x3d: {  	[tilespmem:s10], [sflag:$0x1] =	stream.indirect.gather [hbm4b:s4+s22], $0x20, s28, s22, $0xb8;
	[tilespmem:$0x10800] =	vst v63  }
0x3e: {  	_ = 	snop  }
0x3f: {  	[tilespmem:s9], [sflag:$0x1] =	stream.indirect.gather [hbm4b:s4+s22], $0x20, s29, s22, $0xb8;
	[tilespmem:$0x10800] =	vst v63  }
0x40: {  	_ = 	snop  }
0x41: {  	[tilespmem:s7], [sflag:$0x1] =	stream.indirect.gather [hbm4b:s4+s22], $0x20, s30, s22, $0xb8;
	[tilespmem:$0x10800] =	vst v63  }
0x42: {  	_ = 	snop  }
0x43: {  	[tilespmem:s8], [sflag:$0x1] =	stream.indirect.gather [hbm4b:s4+s22], $0x20, s31, s22, $0xb8;
	[tilespmem:$0x10800] =	vst v63  }
0x44: {  	_ = 	snop  }
0x45: {  	[tilespmem:s5], [sflag:$0x1] =	stream.indirect.gather [hbm4b:s4+s22], $0x20, s25, s22, $0xb8;
	[tilespmem:$0x10800] =	vst v63  }
0x46: {  	_ =	swait.ge [sflag:s6], $0x1000  }
0x47: {  	[sflag:s6] =	ssyncset.done $0x0  }
0x48: {  	s1 =	rddreg [dreg:$0x4];
	[sflag:s6] =	ssyncadd.s32 $0xFFFFF000  }
0x49: {  	[hbm4b:s1+s2] =	stream.linear.scatter [tilespmem:s21], [sflag:$0x2], $0x1000, $0x38;
	[tilespmem:$0x10800] =	vst v63  }
0x4a: {  	_ =	swait.ge [sflag:s6], $0x1000  }
0x4b: {  	[sflag:s6] =	ssyncset.done $0x0  }
0x4c: {  	s1 =	rddreg [dreg:$0x5];
	[sflag:s6] =	ssyncadd.s32 $0xFFFFF000  }
0x4d: {  	[hbm4b:s1+s2] =	stream.linear.scatter [tilespmem:s20], [sflag:$0x2], $0x1000, $0x38;
	[tilespmem:$0x10800] =	vst v63  }
0x4e: {  	_ =	swait.ge [sflag:s6], $0x1000  }
0x4f: {  	[sflag:s6] =	ssyncset.done $0x0  }
0x50: {  	s1 =	rddreg [dreg:$0x6];
	[sflag:s6] =	ssyncadd.s32 $0xFFFFF000  }
0x51: {  	[hbm4b:s1+s2] =	stream.linear.scatter [tilespmem:s19], [sflag:$0x2], $0x1000, $0x38;
	[tilespmem:$0x10800] =	vst v63  }
0x52: {  	_ =	swait.ge [sflag:s6], $0x1000  }
0x53: {  	[sflag:s6] =	ssyncset.done $0x0  }
0x54: {  	s1 =	rddreg [dreg:$0x7];
	[sflag:s6] =	ssyncadd.s32 $0xFFFFF000  }
0x55: {  	[hbm4b:s1+s2] =	stream.linear.scatter [tilespmem:s18], [sflag:$0x2], $0x1000, $0x38;
	[tilespmem:$0x10800] =	vst v63  }
0x56: {  	_ =	swait.ge [sflag:s6], $0x1000  }
0x57: {  	[sflag:s6] =	ssyncset.done $0x0  }
0x58: {  	s1 =	rddreg [dreg:$0x8];
	[sflag:s6] =	ssyncadd.s32 $0xFFFFF000  }
0x59: {  	[hbm4b:s1+s2] =	stream.linear.scatter [tilespmem:s17], [sflag:$0x2], $0x1000, $0x38;
	[tilespmem:$0x10800] =	vst v63  }
0x5a: {  	_ =	swait.ge [sflag:s6], $0x1000  }
0x5b: {  	[sflag:s6] =	ssyncset.done $0x0  }
0x5c: {  	s1 =	rddreg [dreg:$0x9];
	[sflag:s6] =	ssyncadd.s32 $0xFFFFF000  }
0x5d: {  	[hbm4b:s1+s2] =	stream.linear.scatter [tilespmem:s16], [sflag:$0x2], $0x1000, $0x38;
	[tilespmem:$0x10800] =	vst v63  }
0x5e: {  	_ =	swait.ge [sflag:s6], $0x1000  }
0x5f: {  	[sflag:s6] =	ssyncset.done $0x0  }
0x60: {  	s1 =	rddreg [dreg:$0xa];
	[sflag:s6] =	ssyncadd.s32 $0xFFFFF000  }
0x61: {  	[hbm4b:s1+s2] =	stream.linear.scatter [tilespmem:s15], [sflag:$0x2], $0x1000, $0x38;
	[tilespmem:$0x10800] =	vst v63  }
0x62: {  	_ =	swait.ge [sflag:s6], $0x1000  }
0x63: {  	[sflag:s6] =	ssyncset.done $0x0  }
0x64: {  	s1 =	rddreg [dreg:$0xb];
	[sflag:s6] =	ssyncadd.s32 $0xFFFFF000  }
0x65: {  	[hbm4b:s1+s2] =	stream.linear.scatter [tilespmem:s14], [sflag:$0x2], $0x1000, $0x38;
	[tilespmem:$0x10800] =	vst v63  }
0x66: {  	_ =	swait.ge [sflag:s6], $0x1000  }
0x67: {  	[sflag:s6] =	ssyncset.done $0x0  }
0x68: {  	s1 =	rddreg [dreg:$0xc];
	[sflag:s6] =	ssyncadd.s32 $0xFFFFF000  }
0x69: {  	[hbm4b:s1+s2] =	stream.linear.scatter [tilespmem:s13], [sflag:$0x2], $0x1000, $0x38;
	[tilespmem:$0x10800] =	vst v63  }
0x6a: {  	_ =	swait.ge [sflag:s6], $0x1000  }
0x6b: {  	[sflag:s6] =	ssyncset.done $0x0  }
0x6c: {  	s1 =	rddreg [dreg:$0xd];
	[sflag:s6] =	ssyncadd.s32 $0xFFFFF000  }
0x6d: {  	[hbm4b:s1+s2] =	stream.linear.scatter [tilespmem:s12], [sflag:$0x2], $0x1000, $0x38;
	[tilespmem:$0x10800] =	vst v63  }
0x6e: {  	_ =	swait.ge [sflag:s6], $0x1000  }
0x6f: {  	[sflag:s6] =	ssyncset.done $0x0  }
0x70: {  	s1 =	rddreg [dreg:$0xe];
	[sflag:s6] =	ssyncadd.s32 $0xFFFFF000  }
0x71: {  	[hbm4b:s1+s2] =	stream.linear.scatter [tilespmem:s11], [sflag:$0x2], $0x1000, $0x38;
	[tilespmem:$0x10800] =	vst v63  }
0x72: {  	_ =	swait.ge [sflag:s6], $0x1000  }
0x73: {  	[sflag:s6] =	ssyncset.done $0x0  }
0x74: {  	s1 =	rddreg [dreg:$0xf];
	[sflag:s6] =	ssyncadd.s32 $0xFFFFF000  }
0x75: {  	[hbm4b:s1+s2] =	stream.linear.scatter [tilespmem:s10], [sflag:$0x2], $0x1000, $0x38;
	[tilespmem:$0x10800] =	vst v63  }
0x76: {  	_ =	swait.ge [sflag:s6], $0x1000  }
0x77: {  	[sflag:s6] =	ssyncset.done $0x0  }
0x78: {  	s1 =	rddreg [dreg:$0x10];
	[sflag:s6] =	ssyncadd.s32 $0xFFFFF000  }
0x79: {  	[hbm4b:s1+s2] =	stream.linear.scatter [tilespmem:s9], [sflag:$0x2], $0x1000, $0x38;
	[tilespmem:$0x10800] =	vst v63  }
0x7a: {  	_ =	swait.ge [sflag:s6], $0x1000  }
0x7b: {  	[sflag:s6] =	ssyncset.done $0x0  }
0x7c: {  	s1 =	rddreg [dreg:$0x11];
	[sflag:s6] =	ssyncadd.s32 $0xFFFFF000  }
0x7d: {  	[hbm4b:s1+s2] =	stream.linear.scatter [tilespmem:s7], [sflag:$0x2], $0x1000, $0x38;
	[tilespmem:$0x10800] =	vst v63  }
0x7e: {  	_ =	swait.ge [sflag:s6], $0x1000  }
0x7f: {  	[sflag:s6] =	ssyncset.done $0x0  }
0x80: {  	s1 =	rddreg [dreg:$0x12];
	[sflag:s6] =	ssyncadd.s32 $0xFFFFF000  }
0x81: {  	[hbm4b:s1+s2] =	stream.linear.scatter [tilespmem:s8], [sflag:$0x2], $0x1000, $0x38;
	[tilespmem:$0x10800] =	vst v63  }
0x82: {  	_ =	swait.ge [sflag:s6], $0x1000  }
0x83: {  	[sflag:s6] =	ssyncset.done $0x0  }
0x84: {  	s1 =	rddreg [dreg:$0x13];
	[sflag:s6] =	ssyncadd.s32 $0xFFFFF000  }
0x85: {  	[hbm4b:s1+s2] =	stream.linear.scatter [tilespmem:s5], [sflag:$0x2], $0x1000, $0x38;
	[tilespmem:$0x10800] =	vst v63  }
0x86: {  	_ =	swait.ge [sflag:s3], $0x1000  }
0x87: {  	[sflag:s3] =	ssyncset.done $0x0  }
0x88: {  	[sflag:s3] =	ssyncadd.s32 $0xFFFFF000  }
0x89: {  	_ =	swait.ge [sflag:s3], $0x1000  }
0x8a: {  	[sflag:s3] =	ssyncset.done $0x0  }
0x8b: {  	[sflag:s3] =	ssyncadd.s32 $0xFFFFF000  }
0x8c: {  	_ =	swait.ge [sflag:s3], $0x1000  }
0x8d: {  	[sflag:s3] =	ssyncset.done $0x0  }
0x8e: {  	[sflag:s3] =	ssyncadd.s32 $0xFFFFF000  }
0x8f: {  	_ =	swait.ge [sflag:s3], $0x1000  }
0x90: {  	[sflag:s3] =	ssyncset.done $0x0  }
0x91: {  	[sflag:s3] =	ssyncadd.s32 $0xFFFFF000  }
0x92: {  	_ =	swait.ge [sflag:s3], $0x1000  }
0x93: {  	[sflag:s3] =	ssyncset.done $0x0  }
0x94: {  	[sflag:s3] =	ssyncadd.s32 $0xFFFFF000  }
0x95: {  	_ =	swait.ge [sflag:s3], $0x1000  }
0x96: {  	[sflag:s3] =	ssyncset.done $0x0  }
0x97: {  	[sflag:s3] =	ssyncadd.s32 $0xFFFFF000  }
0x98: {  	_ =	swait.ge [sflag:s3], $0x1000  }
0x99: {  	[sflag:s3] =	ssyncset.done $0x0  }
0x9a: {  	[sflag:s3] =	ssyncadd.s32 $0xFFFFF000  }
0x9b: {  	_ =	swait.ge [sflag:s3], $0x1000  }
0x9c: {  	[sflag:s3] =	ssyncset.done $0x0  }
0x9d: {  	[sflag:s3] =	ssyncadd.s32 $0xFFFFF000  }
0x9e: {  	_ =	swait.ge [sflag:s3], $0x1000  }
0x9f: {  	[sflag:s3] =	ssyncset.done $0x0  }
0xa0: {  	[sflag:s3] =	ssyncadd.s32 $0xFFFFF000  }
0xa1: {  	_ =	swait.ge [sflag:s3], $0x1000  }
0xa2: {  	[sflag:s3] =	ssyncset.done $0x0  }
0xa3: {  	[sflag:s3] =	ssyncadd.s32 $0xFFFFF000  }
0xa4: {  	_ =	swait.ge [sflag:s3], $0x1000  }
0xa5: {  	[sflag:s3] =	ssyncset.done $0x0  }
0xa6: {  	[sflag:s3] =	ssyncadd.s32 $0xFFFFF000  }
0xa7: {  	_ =	swait.ge [sflag:s3], $0x1000  }
0xa8: {  	[sflag:s3] =	ssyncset.done $0x0  }
0xa9: {  	[sflag:s3] =	ssyncadd.s32 $0xFFFFF000  }
0xaa: {  	_ =	swait.ge [sflag:s3], $0x1000  }
0xab: {  	[sflag:s3] =	ssyncset.done $0x0  }
0xac: {  	[sflag:s3] =	ssyncadd.s32 $0xFFFFF000  }
0xad: {  	_ =	swait.ge [sflag:s3], $0x1000  }
0xae: {  	[sflag:s3] =	ssyncset.done $0x0  }
0xaf: {  	p1 =	sne.s32 s24, $0x1;
	[sflag:s3] =	ssyncadd.s32 $0xFFFFF000  }
.Ltmp1:
0xb0: {  	_ =	swait.ge [sflag:s3], $0x1000;
	(pc) =	sbr.rel @!p1 .LBB2_3-.Ltmp1, $4  }
0xb1: {  	[sflag:s3] =	ssyncset.done $0x0  }
0xb2: {  	[sflag:s3] =	ssyncadd.s32 $0xFFFFF000  }
0xb3: {  	p0 =	por $0x1, $0x1;
	_ =	swait.ge [sflag:s3], $0x1000  }
0xb4: {  	s1 =	sadd.s32 $0xFFFFFFFF, s24;
	s0 =	rddreg [dreg:$0x3];
	[sflag:s3] =	ssyncset.done $0x0  }
.LBB2_4:
0xb5: {  	[sflag:s3] =	ssyncadd.s32 $0xFFFFF000  }
0xb6: {  	[tilespmem:s2], [sflag:$0x3] =	stream.linear.gather [hbm4b:s0+s2], $0x800, $0x38;
	[tilespmem:$0x10800] =	vst v63  }
0xb7: {  	_ =	swait.ge [sflag:s23], $0x800  }
0xb8: {  	[sflag:s23] =	ssyncset.done $0x0  }
0xb9: {  	[sflag:s23] =	ssyncadd.s32 $0xFFFFF800  }
0xba: {  	[tilespmem:s21], [sflag:$0x1] =	stream.indirect.gather [hbm4b:s4+s22], $0x20, s2, s22, $0xb8;
	[tilespmem:$0x10800] =	vst v63  }
0xbb: {  	_ = 	snop  }
0xbc: {  	[tilespmem:s20], [sflag:$0x1] =	stream.indirect.gather [hbm4b:s4+s22], $0x20, s22, s22, $0xb8;
	[tilespmem:$0x10800] =	vst v63  }
0xbd: {  	s0 =	rddreg [dreg:$0x14]  }
0xbe: {  	[tilespmem:s19], [sflag:$0x1] =	stream.indirect.gather [hbm4b:s4+s22], $0x20, s0, s22, $0xb8;
	[tilespmem:$0x10800] =	vst v63  }
0xbf: {  	s24 =	rddreg [dreg:$0x15]  }
0xc0: {  	[tilespmem:s18], [sflag:$0x1] =	stream.indirect.gather [hbm4b:s4+s22], $0x20, s24, s22, $0xb8;
	[tilespmem:$0x10800] =	vst v63  }
0xc1: {  	s0 =	rddreg [dreg:$0x16]  }
0xc2: {  	[tilespmem:s17], [sflag:$0x1] =	stream.indirect.gather [hbm4b:s4+s22], $0x20, s0, s22, $0xb8;
	[tilespmem:$0x10800] =	vst v63  }
0xc3: {  	s24 =	rddreg [dreg:$0x17]  }
0xc4: {  	[tilespmem:s16], [sflag:$0x1] =	stream.indirect.gather [hbm4b:s4+s22], $0x20, s24, s22, $0xb8;
	[tilespmem:$0x10800] =	vst v63  }
0xc5: {  	s0 =	rddreg [dreg:$0x18]  }
0xc6: {  	[tilespmem:s15], [sflag:$0x1] =	stream.indirect.gather [hbm4b:s4+s22], $0x20, s0, s22, $0xb8;
	[tilespmem:$0x10800] =	vst v63  }
0xc7: {  	s24 =	rddreg [dreg:$0x19]  }
0xc8: {  	[tilespmem:s14], [sflag:$0x1] =	stream.indirect.gather [hbm4b:s4+s22], $0x20, s24, s22, $0xb8;
	[tilespmem:$0x10800] =	vst v63  }
0xc9: {  	s0 =	rddreg [dreg:$0x1a]  }
0xca: {  	[tilespmem:s13], [sflag:$0x1] =	stream.indirect.gather [hbm4b:s4+s22], $0x20, s0, s22, $0xb8;
	[tilespmem:$0x10800] =	vst v63  }
0xcb: {  	s24 =	simm.s32 $0x480  }
0xcc: {  	[tilespmem:s12], [sflag:$0x1] =	stream.indirect.gather [hbm4b:s4+s22], $0x20, s24, s22, $0xb8;
	[tilespmem:$0x10800] =	vst v63  }
0xcd: {  	_ = 	snop  }
0xce: {  	[tilespmem:s11], [sflag:$0x1] =	stream.indirect.gather [hbm4b:s4+s22], $0x20, s26, s22, $0xb8;
	[tilespmem:$0x10800] =	vst v63  }
0xcf: {  	_ = 	snop  }
0xd0: {  	[tilespmem:s10], [sflag:$0x1] =	stream.indirect.gather [hbm4b:s4+s22], $0x20, s28, s22, $0xb8;
	[tilespmem:$0x10800] =	vst v63  }
0xd1: {  	_ = 	snop  }
0xd2: {  	[tilespmem:s9], [sflag:$0x1] =	stream.indirect.gather [hbm4b:s4+s22], $0x20, s29, s22, $0xb8;
	[tilespmem:$0x10800] =	vst v63  }
0xd3: {  	_ = 	snop  }
0xd4: {  	[tilespmem:s7], [sflag:$0x1] =	stream.indirect.gather [hbm4b:s4+s22], $0x20, s30, s22, $0xb8;
	[tilespmem:$0x10800] =	vst v63  }
0xd5: {  	_ = 	snop  }
0xd6: {  	[tilespmem:s8], [sflag:$0x1] =	stream.indirect.gather [hbm4b:s4+s22], $0x20, s31, s22, $0xb8;
	[tilespmem:$0x10800] =	vst v63  }
0xd7: {  	_ = 	snop  }
0xd8: {  	[tilespmem:s5], [sflag:$0x1] =	stream.indirect.gather [hbm4b:s4+s22], $0x20, s25, s22, $0xb8;
	[tilespmem:$0x10800] =	vst v63  }
0xd9: {  	_ =	swait.ge [sflag:s6], $0x1000  }
0xda: {  	[sflag:s6] =	ssyncset.done $0x0  }
0xdb: {  	s24 =	rddreg [dreg:$0x4];
	[sflag:s6] =	ssyncadd.s32 $0xFFFFF000  }
0xdc: {  	[hbm4b:s24+s2] =	stream.linear.scatter [tilespmem:s21], [sflag:$0x2], $0x1000, $0x38;
	[tilespmem:$0x10800] =	vst v63  }
0xdd: {  	_ =	swait.ge [sflag:s6], $0x1000  }
0xde: {  	[sflag:s6] =	ssyncset.done $0x0  }
0xdf: {  	s24 =	rddreg [dreg:$0x5];
	[sflag:s6] =	ssyncadd.s32 $0xFFFFF000  }
0xe0: {  	[hbm4b:s24+s2] =	stream.linear.scatter [tilespmem:s20], [sflag:$0x2], $0x1000, $0x38;
	[tilespmem:$0x10800] =	vst v63  }
0xe1: {  	_ =	swait.ge [sflag:s6], $0x1000  }
0xe2: {  	[sflag:s6] =	ssyncset.done $0x0  }
0xe3: {  	s24 =	rddreg [dreg:$0x6];
	[sflag:s6] =	ssyncadd.s32 $0xFFFFF000  }
0xe4: {  	[hbm4b:s24+s2] =	stream.linear.scatter [tilespmem:s19], [sflag:$0x2], $0x1000, $0x38;
	[tilespmem:$0x10800] =	vst v63  }
0xe5: {  	_ =	swait.ge [sflag:s6], $0x1000  }
0xe6: {  	[sflag:s6] =	ssyncset.done $0x0  }
0xe7: {  	s24 =	rddreg [dreg:$0x7];
	[sflag:s6] =	ssyncadd.s32 $0xFFFFF000  }
0xe8: {  	[hbm4b:s24+s2] =	stream.linear.scatter [tilespmem:s18], [sflag:$0x2], $0x1000, $0x38;
	[tilespmem:$0x10800] =	vst v63  }
0xe9: {  	_ =	swait.ge [sflag:s6], $0x1000  }
0xea: {  	[sflag:s6] =	ssyncset.done $0x0  }
0xeb: {  	s24 =	rddreg [dreg:$0x8];
	[sflag:s6] =	ssyncadd.s32 $0xFFFFF000  }
0xec: {  	[hbm4b:s24+s2] =	stream.linear.scatter [tilespmem:s17], [sflag:$0x2], $0x1000, $0x38;
	[tilespmem:$0x10800] =	vst v63  }
0xed: {  	_ =	swait.ge [sflag:s6], $0x1000  }
0xee: {  	[sflag:s6] =	ssyncset.done $0x0  }
0xef: {  	s24 =	rddreg [dreg:$0x9];
	[sflag:s6] =	ssyncadd.s32 $0xFFFFF000  }
0xf0: {  	[hbm4b:s24+s2] =	stream.linear.scatter [tilespmem:s16], [sflag:$0x2], $0x1000, $0x38;
	[tilespmem:$0x10800] =	vst v63  }
0xf1: {  	_ =	swait.ge [sflag:s6], $0x1000  }
0xf2: {  	[sflag:s6] =	ssyncset.done $0x0  }
0xf3: {  	s24 =	rddreg [dreg:$0xa];
	[sflag:s6] =	ssyncadd.s32 $0xFFFFF000  }
0xf4: {  	[hbm4b:s24+s2] =	stream.linear.scatter [tilespmem:s15], [sflag:$0x2], $0x1000, $0x38;
	[tilespmem:$0x10800] =	vst v63  }
0xf5: {  	_ =	swait.ge [sflag:s6], $0x1000  }
0xf6: {  	[sflag:s6] =	ssyncset.done $0x0  }
0xf7: {  	s24 =	rddreg [dreg:$0xb];
	[sflag:s6] =	ssyncadd.s32 $0xFFFFF000  }
0xf8: {  	[hbm4b:s24+s2] =	stream.linear.scatter [tilespmem:s14], [sflag:$0x2], $0x1000, $0x38;
	[tilespmem:$0x10800] =	vst v63  }
0xf9: {  	_ =	swait.ge [sflag:s6], $0x1000  }
0xfa: {  	[sflag:s6] =	ssyncset.done $0x0  }
0xfb: {  	s24 =	rddreg [dreg:$0xc];
	[sflag:s6] =	ssyncadd.s32 $0xFFFFF000  }
0xfc: {  	[hbm4b:s24+s2] =	stream.linear.scatter [tilespmem:s13], [sflag:$0x2], $0x1000, $0x38;
	[tilespmem:$0x10800] =	vst v63  }
0xfd: {  	_ =	swait.ge [sflag:s6], $0x1000  }
0xfe: {  	[sflag:s6] =	ssyncset.done $0x0  }
0xff: {  	s24 =	rddreg [dreg:$0xd];
	[sflag:s6] =	ssyncadd.s32 $0xFFFFF000  }
0x100: {  	[hbm4b:s24+s2] =	stream.linear.scatter [tilespmem:s12], [sflag:$0x2], $0x1000, $0x38;
	[tilespmem:$0x10800] =	vst v63  }
0x101: {  	_ =	swait.ge [sflag:s6], $0x1000  }
0x102: {  	[sflag:s6] =	ssyncset.done $0x0  }
0x103: {  	s24 =	rddreg [dreg:$0xe];
	[sflag:s6] =	ssyncadd.s32 $0xFFFFF000  }
0x104: {  	[hbm4b:s24+s2] =	stream.linear.scatter [tilespmem:s11], [sflag:$0x2], $0x1000, $0x38;
	[tilespmem:$0x10800] =	vst v63  }
0x105: {  	_ =	swait.ge [sflag:s6], $0x1000  }
0x106: {  	[sflag:s6] =	ssyncset.done $0x0  }
0x107: {  	s24 =	rddreg [dreg:$0xf];
	[sflag:s6] =	ssyncadd.s32 $0xFFFFF000  }
0x108: {  	[hbm4b:s24+s2] =	stream.linear.scatter [tilespmem:s10], [sflag:$0x2], $0x1000, $0x38;
	[tilespmem:$0x10800] =	vst v63  }
0x109: {  	_ =	swait.ge [sflag:s6], $0x1000  }
0x10a: {  	[sflag:s6] =	ssyncset.done $0x0  }
0x10b: {  	s24 =	rddreg [dreg:$0x10];
	[sflag:s6] =	ssyncadd.s32 $0xFFFFF000  }
0x10c: {  	[hbm4b:s24+s2] =	stream.linear.scatter [tilespmem:s9], [sflag:$0x2], $0x1000, $0x38;
	[tilespmem:$0x10800] =	vst v63  }
0x10d: {  	_ =	swait.ge [sflag:s6], $0x1000  }
0x10e: {  	[sflag:s6] =	ssyncset.done $0x0  }
0x10f: {  	s24 =	rddreg [dreg:$0x11];
	[sflag:s6] =	ssyncadd.s32 $0xFFFFF000  }
0x110: {  	[hbm4b:s24+s2] =	stream.linear.scatter [tilespmem:s7], [sflag:$0x2], $0x1000, $0x38;
	[tilespmem:$0x10800] =	vst v63  }
0x111: {  	_ =	swait.ge [sflag:s6], $0x1000  }
0x112: {  	[sflag:s6] =	ssyncset.done $0x0  }
0x113: {  	s24 =	rddreg [dreg:$0x12];
	[sflag:s6] =	ssyncadd.s32 $0xFFFFF000  }
0x114: {  	[hbm4b:s24+s2] =	stream.linear.scatter [tilespmem:s8], [sflag:$0x2], $0x1000, $0x38;
	[tilespmem:$0x10800] =	vst v63  }
0x115: {  	_ =	swait.ge [sflag:s6], $0x1000  }
0x116: {  	[sflag:s6] =	ssyncset.done $0x0  }
0x117: {  	s24 =	rddreg [dreg:$0x13];
	[sflag:s6] =	ssyncadd.s32 $0xFFFFF000  }
0x118: {  	[hbm4b:s24+s2] =	stream.linear.scatter [tilespmem:s5], [sflag:$0x2], $0x1000, $0x38;
	[tilespmem:$0x10800] =	vst v63  }
0x119: {  	_ =	swait.ge [sflag:s3], $0x1000  }
0x11a: {  	[sflag:s3] =	ssyncset.done $0x0  }
0x11b: {  	[sflag:s3] =	ssyncadd.s32 $0xFFFFF000  }
0x11c: {  	_ =	swait.ge [sflag:s3], $0x1000  }
0x11d: {  	[sflag:s3] =	ssyncset.done $0x0  }
0x11e: {  	[sflag:s3] =	ssyncadd.s32 $0xFFFFF000  }
0x11f: {  	_ =	swait.ge [sflag:s3], $0x1000  }
0x120: {  	[sflag:s3] =	ssyncset.done $0x0  }
0x121: {  	[sflag:s3] =	ssyncadd.s32 $0xFFFFF000  }
0x122: {  	_ =	swait.ge [sflag:s3], $0x1000  }
0x123: {  	[sflag:s3] =	ssyncset.done $0x0  }
0x124: {  	[sflag:s3] =	ssyncadd.s32 $0xFFFFF000  }
0x125: {  	_ =	swait.ge [sflag:s3], $0x1000  }
0x126: {  	[sflag:s3] =	ssyncset.done $0x0  }
0x127: {  	[sflag:s3] =	ssyncadd.s32 $0xFFFFF000  }
0x128: {  	_ =	swait.ge [sflag:s3], $0x1000  }
0x129: {  	[sflag:s3] =	ssyncset.done $0x0  }
0x12a: {  	[sflag:s3] =	ssyncadd.s32 $0xFFFFF000  }
0x12b: {  	_ =	swait.ge [sflag:s3], $0x1000  }
0x12c: {  	[sflag:s3] =	ssyncset.done $0x0  }
0x12d: {  	[sflag:s3] =	ssyncadd.s32 $0xFFFFF000  }
0x12e: {  	_ =	swait.ge [sflag:s3], $0x1000  }
0x12f: {  	[sflag:s3] =	ssyncset.done $0x0  }
0x130: {  	[sflag:s3] =	ssyncadd.s32 $0xFFFFF000  }
0x131: {  	_ =	swait.ge [sflag:s3], $0x1000  }
0x132: {  	[sflag:s3] =	ssyncset.done $0x0  }
0x133: {  	[sflag:s3] =	ssyncadd.s32 $0xFFFFF000  }
0x134: {  	_ =	swait.ge [sflag:s3], $0x1000  }
0x135: {  	[sflag:s3] =	ssyncset.done $0x0  }
0x136: {  	[sflag:s3] =	ssyncadd.s32 $0xFFFFF000  }
0x137: {  	_ =	swait.ge [sflag:s3], $0x1000  }
0x138: {  	[sflag:s3] =	ssyncset.done $0x0  }
0x139: {  	[sflag:s3] =	ssyncadd.s32 $0xFFFFF000  }
0x13a: {  	_ =	swait.ge [sflag:s3], $0x1000  }
0x13b: {  	[sflag:s3] =	ssyncset.done $0x0  }
0x13c: {  	[sflag:s3] =	ssyncadd.s32 $0xFFFFF000  }
0x13d: {  	_ =	swait.ge [sflag:s3], $0x1000  }
0x13e: {  	[sflag:s3] =	ssyncset.done $0x0  }
0x13f: {  	[sflag:s3] =	ssyncadd.s32 $0xFFFFF000  }
0x140: {  	_ =	swait.ge [sflag:s3], $0x1000  }
0x141: {  	[sflag:s3] =	ssyncset.done $0x0  }
0x142: {  	p1 =	sne.s32 s1, $0x1;
	[sflag:s3] =	ssyncadd.s32 $0xFFFFF000  }
.Ltmp2:
0x143: {  	_ =	swait.ge [sflag:s3], $0x1000;
	(pc) =	sbr.rel @p1 .LBB2_4-.Ltmp2, $4  }
0x144: {  	[sflag:s3] =	ssyncset.done $0x0  }
0x145: {  	[sflag:s3] =	ssyncadd.s32 $0xFFFFF000  }
0x146: {  	_ =	swait.ge [sflag:s3], $0x1000  }
0x147: {  	s1 =	sadd.s32 $0xFFFFFFFF, s1;
	s0 =	rddreg [dreg:$0x3];
	[sflag:s3] =	ssyncset.done $0x0  }
0x148: {  	s24 =	simm.s32 $0x780  }
0x149: {  	s31 =	simm.s32 $0x700;
	s30 =	simm.s32 $0x680;
	s29 =	simm.s32 $0x600  }
0x14a: {  	s28 =	simm.s32 $0x580;
	s26 =	simm.s32 $0x500;
	s25 =	simm.s32 $0x480  }
.LBB2_6:
0x14b: {  	[sflag:s3] =	ssyncadd.s32 @p0 $0xFFFFF000  }
0x14c: {  	[tilespmem:s2], [sflag:$0x3] =	stream.linear.gather [hbm4b:s0+s2], $0x800, $0x38;
	[tilespmem:$0x10800] =	vst v63  }
0x14d: {  	_ =	swait.ge [sflag:s23], $0x800  }
0x14e: {  	[sflag:s23] =	ssyncset.done $0x0  }
0x14f: {  	[sflag:s23] =	ssyncadd.s32 $0xFFFFF800  }
0x150: {  	[tilespmem:s21], [sflag:$0x1] =	stream.indirect.gather [hbm4b:s4+s22], $0x20, s2, s22, $0xb8;
	[tilespmem:$0x10800] =	vst v63  }
0x151: {  	_ = 	snop  }
0x152: {  	[tilespmem:s20], [sflag:$0x1] =	stream.indirect.gather [hbm4b:s4+s22], $0x20, s22, s22, $0xb8;
	[tilespmem:$0x10800] =	vst v63  }
0x153: {  	s23 =	rddreg [dreg:$0x14]  }
0x154: {  	[tilespmem:s19], [sflag:$0x1] =	stream.indirect.gather [hbm4b:s4+s22], $0x20, s23, s22, $0xb8;
	[tilespmem:$0x10800] =	vst v63  }
0x155: {  	s1 =	rddreg [dreg:$0x15]  }
0x156: {  	[tilespmem:s18], [sflag:$0x1] =	stream.indirect.gather [hbm4b:s4+s22], $0x20, s1, s22, $0xb8;
	[tilespmem:$0x10800] =	vst v63  }
0x157: {  	s23 =	rddreg [dreg:$0x16]  }
0x158: {  	[tilespmem:s17], [sflag:$0x1] =	stream.indirect.gather [hbm4b:s4+s22], $0x20, s23, s22, $0xb8;
	[tilespmem:$0x10800] =	vst v63  }
0x159: {  	s1 =	rddreg [dreg:$0x17]  }
0x15a: {  	[tilespmem:s16], [sflag:$0x1] =	stream.indirect.gather [hbm4b:s4+s22], $0x20, s1, s22, $0xb8;
	[tilespmem:$0x10800] =	vst v63  }
0x15b: {  	s23 =	rddreg [dreg:$0x18]  }
0x15c: {  	[tilespmem:s15], [sflag:$0x1] =	stream.indirect.gather [hbm4b:s4+s22], $0x20, s23, s22, $0xb8;
	[tilespmem:$0x10800] =	vst v63  }
0x15d: {  	s1 =	rddreg [dreg:$0x19]  }
0x15e: {  	[tilespmem:s14], [sflag:$0x1] =	stream.indirect.gather [hbm4b:s4+s22], $0x20, s1, s22, $0xb8;
	[tilespmem:$0x10800] =	vst v63  }
0x15f: {  	s23 =	rddreg [dreg:$0x1a]  }
0x160: {  	[tilespmem:s13], [sflag:$0x1] =	stream.indirect.gather [hbm4b:s4+s22], $0x20, s23, s22, $0xb8;
	[tilespmem:$0x10800] =	vst v63  }
0x161: {  	_ = 	snop  }
0x162: {  	[tilespmem:s12], [sflag:$0x1] =	stream.indirect.gather [hbm4b:s4+s22], $0x20, s25, s22, $0xb8;
	[tilespmem:$0x10800] =	vst v63  }
0x163: {  	_ = 	snop  }
0x164: {  	[tilespmem:s11], [sflag:$0x1] =	stream.indirect.gather [hbm4b:s4+s22], $0x20, s26, s22, $0xb8;
	[tilespmem:$0x10800] =	vst v63  }
0x165: {  	_ = 	snop  }
0x166: {  	[tilespmem:s10], [sflag:$0x1] =	stream.indirect.gather [hbm4b:s4+s22], $0x20, s28, s22, $0xb8;
	[tilespmem:$0x10800] =	vst v63  }
0x167: {  	_ = 	snop  }
0x168: {  	[tilespmem:s9], [sflag:$0x1] =	stream.indirect.gather [hbm4b:s4+s22], $0x20, s29, s22, $0xb8;
	[tilespmem:$0x10800] =	vst v63  }
0x169: {  	_ = 	snop  }
0x16a: {  	[tilespmem:s7], [sflag:$0x1] =	stream.indirect.gather [hbm4b:s4+s22], $0x20, s30, s22, $0xb8;
	[tilespmem:$0x10800] =	vst v63  }
0x16b: {  	_ = 	snop  }
0x16c: {  	[tilespmem:s8], [sflag:$0x1] =	stream.indirect.gather [hbm4b:s4+s22], $0x20, s31, s22, $0xb8;
	[tilespmem:$0x10800] =	vst v63  }
0x16d: {  	_ = 	snop  }
0x16e: {  	[tilespmem:s5], [sflag:$0x1] =	stream.indirect.gather [hbm4b:s4+s22], $0x20, s24, s22, $0xb8;
	[tilespmem:$0x10800] =	vst v63  }
0x16f: {  	_ =	swait.ge [sflag:s6], $0x1000  }
0x170: {  	[sflag:s6] =	ssyncset.done $0x0  }
0x171: {  	s30 =	rddreg [dreg:$0x4];
	[sflag:s6] =	ssyncadd.s32 $0xFFFFF000  }
0x172: {  	[hbm4b:s30+s2] =	stream.linear.scatter [tilespmem:s21], [sflag:$0x2], $0x1000, $0x38;
	[tilespmem:$0x10800] =	vst v63  }
0x173: {  	_ =	swait.ge [sflag:s6], $0x1000  }
0x174: {  	[sflag:s6] =	ssyncset.done $0x0  }
0x175: {  	s31 =	rddreg [dreg:$0x5];
	[sflag:s6] =	ssyncadd.s32 $0xFFFFF000  }
0x176: {  	[hbm4b:s31+s2] =	stream.linear.scatter [tilespmem:s20], [sflag:$0x2], $0x1000, $0x38;
	[tilespmem:$0x10800] =	vst v63  }
0x177: {  	_ =	swait.ge [sflag:s6], $0x1000  }
0x178: {  	[sflag:s6] =	ssyncset.done $0x0  }
0x179: {  	s1 =	rddreg [dreg:$0x6];
	[sflag:s6] =	ssyncadd.s32 $0xFFFFF000  }
0x17a: {  	[hbm4b:s1+s2] =	stream.linear.scatter [tilespmem:s19], [sflag:$0x2], $0x1000, $0x38;
	[tilespmem:$0x10800] =	vst v63  }
0x17b: {  	_ =	swait.ge [sflag:s6], $0x1000  }
0x17c: {  	[sflag:s6] =	ssyncset.done $0x0  }
0x17d: {  	s4 =	rddreg [dreg:$0x7];
	[sflag:s6] =	ssyncadd.s32 $0xFFFFF000  }
0x17e: {  	[hbm4b:s4+s2] =	stream.linear.scatter [tilespmem:s18], [sflag:$0x2], $0x1000, $0x38;
	[tilespmem:$0x10800] =	vst v63  }
0x17f: {  	_ =	swait.ge [sflag:s6], $0x1000  }
0x180: {  	[sflag:s6] =	ssyncset.done $0x0  }
0x181: {  	s18 =	rddreg [dreg:$0x8];
	[sflag:s6] =	ssyncadd.s32 $0xFFFFF000  }
0x182: {  	[hbm4b:s18+s2] =	stream.linear.scatter [tilespmem:s17], [sflag:$0x2], $0x1000, $0x38;
	[tilespmem:$0x10800] =	vst v63  }
0x183: {  	_ =	swait.ge [sflag:s6], $0x1000  }
0x184: {  	[sflag:s6] =	ssyncset.done $0x0  }
0x185: {  	s19 =	rddreg [dreg:$0x9];
	[sflag:s6] =	ssyncadd.s32 $0xFFFFF000  }
0x186: {  	[hbm4b:s19+s2] =	stream.linear.scatter [tilespmem:s16], [sflag:$0x2], $0x1000, $0x38;
	[tilespmem:$0x10800] =	vst v63  }
0x187: {  	_ =	swait.ge [sflag:s6], $0x1000  }
0x188: {  	[sflag:s6] =	ssyncset.done $0x0  }
0x189: {  	s20 =	rddreg [dreg:$0xa];
	[sflag:s6] =	ssyncadd.s32 $0xFFFFF000  }
0x18a: {  	[hbm4b:s20+s2] =	stream.linear.scatter [tilespmem:s15], [sflag:$0x2], $0x1000, $0x38;
	[tilespmem:$0x10800] =	vst v63  }
0x18b: {  	_ =	swait.ge [sflag:s6], $0x1000  }
0x18c: {  	[sflag:s6] =	ssyncset.done $0x0  }
0x18d: {  	s21 =	rddreg [dreg:$0xb];
	[sflag:s6] =	ssyncadd.s32 $0xFFFFF000  }
0x18e: {  	[hbm4b:s21+s2] =	stream.linear.scatter [tilespmem:s14], [sflag:$0x2], $0x1000, $0x38;
	[tilespmem:$0x10800] =	vst v63  }
0x18f: {  	_ =	swait.ge [sflag:s6], $0x1000  }
0x190: {  	[sflag:s6] =	ssyncset.done $0x0  }
0x191: {  	s22 =	rddreg [dreg:$0xc];
	[sflag:s6] =	ssyncadd.s32 $0xFFFFF000  }
0x192: {  	[hbm4b:s22+s2] =	stream.linear.scatter [tilespmem:s13], [sflag:$0x2], $0x1000, $0x38;
	[tilespmem:$0x10800] =	vst v63  }
0x193: {  	_ =	swait.ge [sflag:s6], $0x1000  }
0x194: {  	[sflag:s6] =	ssyncset.done $0x0  }
0x195: {  	s23 =	rddreg [dreg:$0xd];
	[sflag:s6] =	ssyncadd.s32 $0xFFFFF000  }
0x196: {  	[hbm4b:s23+s2] =	stream.linear.scatter [tilespmem:s12], [sflag:$0x2], $0x1000, $0x38;
	[tilespmem:$0x10800] =	vst v63  }
0x197: {  	_ =	swait.ge [sflag:s6], $0x1000  }
0x198: {  	[sflag:s6] =	ssyncset.done $0x0  }
0x199: {  	s24 =	rddreg [dreg:$0xe];
	[sflag:s6] =	ssyncadd.s32 $0xFFFFF000  }
0x19a: {  	[hbm4b:s24+s2] =	stream.linear.scatter [tilespmem:s11], [sflag:$0x2], $0x1000, $0x38;
	[tilespmem:$0x10800] =	vst v63  }
0x19b: {  	_ =	swait.ge [sflag:s6], $0x1000  }
0x19c: {  	[sflag:s6] =	ssyncset.done $0x0  }
0x19d: {  	s25 =	rddreg [dreg:$0xf];
	[sflag:s6] =	ssyncadd.s32 $0xFFFFF000  }
0x19e: {  	[hbm4b:s25+s2] =	stream.linear.scatter [tilespmem:s10], [sflag:$0x2], $0x1000, $0x38;
	[tilespmem:$0x10800] =	vst v63  }
0x19f: {  	_ =	swait.ge [sflag:s6], $0x1000  }
0x1a0: {  	[sflag:s6] =	ssyncset.done $0x0  }
0x1a1: {  	s26 =	rddreg [dreg:$0x10];
	[sflag:s6] =	ssyncadd.s32 $0xFFFFF000  }
0x1a2: {  	[hbm4b:s26+s2] =	stream.linear.scatter [tilespmem:s9], [sflag:$0x2], $0x1000, $0x38;
	[tilespmem:$0x10800] =	vst v63  }
0x1a3: {  	_ =	swait.ge [sflag:s6], $0x1000  }
0x1a4: {  	[sflag:s6] =	ssyncset.done $0x0  }
0x1a5: {  	s28 =	rddreg [dreg:$0x11];
	[sflag:s6] =	ssyncadd.s32 $0xFFFFF000  }
0x1a6: {  	[hbm4b:s28+s2] =	stream.linear.scatter [tilespmem:s7], [sflag:$0x2], $0x1000, $0x38;
	[tilespmem:$0x10800] =	vst v63  }
0x1a7: {  	_ =	swait.ge [sflag:s6], $0x1000  }
0x1a8: {  	[sflag:s6] =	ssyncset.done $0x0  }
0x1a9: {  	s29 =	rddreg [dreg:$0x12];
	[sflag:s6] =	ssyncadd.s32 $0xFFFFF000  }
0x1aa: {  	[hbm4b:s29+s2] =	stream.linear.scatter [tilespmem:s8], [sflag:$0x2], $0x1000, $0x38;
	[tilespmem:$0x10800] =	vst v63  }
0x1ab: {  	_ =	swait.ge [sflag:s6], $0x1000  }
0x1ac: {  	[sflag:s6] =	ssyncset.done $0x0  }
0x1ad: {  	s30 =	rddreg [dreg:$0x13];
	[sflag:s6] =	ssyncadd.s32 $0xFFFFF000  }
0x1ae: {  	[hbm4b:s30+s2] =	stream.linear.scatter [tilespmem:s5], [sflag:$0x2], $0x1000, $0x38;
	[tilespmem:$0x10800] =	vst v63  }
0x1af: {  	_ =	swait.ge [sflag:s3], $0x1000  }
0x1b0: {  	[sflag:s3] =	ssyncset.done $0x0  }
0x1b1: {  	[sflag:s3] =	ssyncadd.s32 $0xFFFFF000  }
0x1b2: {  	_ =	swait.ge [sflag:s3], $0x1000  }
0x1b3: {  	[sflag:s3] =	ssyncset.done $0x0  }
0x1b4: {  	[sflag:s3] =	ssyncadd.s32 $0xFFFFF000  }
0x1b5: {  	_ =	swait.ge [sflag:s3], $0x1000  }
0x1b6: {  	[sflag:s3] =	ssyncset.done $0x0  }
0x1b7: {  	[sflag:s3] =	ssyncadd.s32 $0xFFFFF000  }
0x1b8: {  	_ =	swait.ge [sflag:s3], $0x1000  }
0x1b9: {  	[sflag:s3] =	ssyncset.done $0x0  }
0x1ba: {  	[sflag:s3] =	ssyncadd.s32 $0xFFFFF000  }
0x1bb: {  	_ =	swait.ge [sflag:s3], $0x1000  }
0x1bc: {  	[sflag:s3] =	ssyncset.done $0x0  }
0x1bd: {  	[sflag:s3] =	ssyncadd.s32 $0xFFFFF000  }
0x1be: {  	_ =	swait.ge [sflag:s3], $0x1000  }
0x1bf: {  	[sflag:s3] =	ssyncset.done $0x0  }
0x1c0: {  	[sflag:s3] =	ssyncadd.s32 $0xFFFFF000  }
0x1c1: {  	_ =	swait.ge [sflag:s3], $0x1000  }
0x1c2: {  	[sflag:s3] =	ssyncset.done $0x0  }
0x1c3: {  	[sflag:s3] =	ssyncadd.s32 $0xFFFFF000  }
0x1c4: {  	_ =	swait.ge [sflag:s3], $0x1000  }
0x1c5: {  	[sflag:s3] =	ssyncset.done $0x0  }
0x1c6: {  	[sflag:s3] =	ssyncadd.s32 $0xFFFFF000  }
0x1c7: {  	_ =	swait.ge [sflag:s3], $0x1000  }
0x1c8: {  	[sflag:s3] =	ssyncset.done $0x0  }
0x1c9: {  	[sflag:s3] =	ssyncadd.s32 $0xFFFFF000  }
0x1ca: {  	_ =	swait.ge [sflag:s3], $0x1000  }
0x1cb: {  	[sflag:s3] =	ssyncset.done $0x0  }
0x1cc: {  	[sflag:s3] =	ssyncadd.s32 $0xFFFFF000  }
0x1cd: {  	_ =	swait.ge [sflag:s3], $0x1000  }
0x1ce: {  	[sflag:s3] =	ssyncset.done $0x0  }
0x1cf: {  	[sflag:s3] =	ssyncadd.s32 $0xFFFFF000  }
0x1d0: {  	_ =	swait.ge [sflag:s3], $0x1000  }
0x1d1: {  	[sflag:s3] =	ssyncset.done $0x0  }
0x1d2: {  	[sflag:s3] =	ssyncadd.s32 $0xFFFFF000  }
0x1d3: {  	_ =	swait.ge [sflag:s3], $0x1000  }
0x1d4: {  	[sflag:s3] =	ssyncset.done $0x0  }
0x1d5: {  	[sflag:s3] =	ssyncadd.s32 $0xFFFFF000  }
0x1d6: {  	_ =	swait.ge [sflag:s3], $0x1000  }
0x1d7: {  	[sflag:s3] =	ssyncset.done $0x0  }
0x1d8: {  	[sflag:s3] =	ssyncadd.s32 $0xFFFFF000  }
0x1d9: {  	_ =	swait.ge [sflag:s3], $0x1000  }
0x1da: {  	[sflag:s3] =	ssyncset.done $0x0  }
0x1db: {  	[sflag:s3] =	ssyncadd.s32 $0xFFFFF000  }
0x1dc: {  	_ =	swait.ge [sflag:s3], $0x1000  }
0x1dd: {  	[sflag:s3] =	ssyncset.done $0x0  }
0x1de: {  	[sflag:s3] =	ssyncadd.s32 $0xFFFFF000  }
0x1df: {  	_ =	sfence.sel $0x180000  }
0x1e0: {  	[bflag:$0x0] =	sbarrier.arrive $0xFFFF  }
0x1e1: {  	_ =	strace $0x90000047  }
0x1e2: {  	s31 =	stileid.u32;
	[bflag:$0x2] =	sbarrier.arrive $0xFFFF  }
0x1e3: {  	p0 =	sne.s32 s31, $0x0;
	s0 =	rddreg [dreg:$0x2]  }
0x1e4: {  	s0 =	sadd.s32 @!p0 $0x100000, s0  }
0x1e5: {  	[sflag:s0] =	ssyncadd.tile.s32 @!p0 $0x1;
	_ =	shalt  }
.LBB2_1:
.Ltmp3:
0x1e6: {  	(pc) =	sbr.rel .LBB2_6-.Ltmp3, $4  }
0x1e7: {  	_ = 	snop  }
0x1e8: {  	s24 =	simm.s32 $0x780  }
0x1e9: {  	s31 =	simm.s32 $0x700;
	s30 =	simm.s32 $0x680;
	s29 =	simm.s32 $0x600  }
0x1ea: {  	s28 =	simm.s32 $0x580;
	s26 =	simm.s32 $0x500;
	s25 =	simm.s32 $0x480  }
.LBB2_3:
.Ltmp4:
0x1eb: {  	(pc) =	sbr.rel .LBB2_6-.Ltmp4, $4  }
0x1ec: {  	_ = 	snop  }
0x1ed: {  	s24 =	simm.s32 $0x780  }
0x1ee: {  	s31 =	simm.s32 $0x700;
	s30 =	simm.s32 $0x680;
	s29 =	simm.s32 $0x600  }
0x1ef: {  	s28 =	simm.s32 $0x580;
	s26 =	simm.s32 $0x500;
	s25 =	simm.s32 $0x480  }
.Lfunc_end2:
_tile_overlayer_lowered:
.L_overlay_start_2:
0x1f0: {  	(tag) =	ssettag $0x2  }
0x1f1: {  	s0 =	rddreg [dreg:$0x0];
	s2 =	stileid.u32  }
0x1f2: {  	s1 =	rddreg [dreg:$0x1];
	p0 =	sne.s32 s2, $0x0  }
0x1f3: {  	s3 =	rddreg [dreg:$0x2];
	[bflag:$0x3] =	sbarrier.arrive $0xFFFF;
	s2 =	simm.s32 @!p0 $0x1C03  }
0x1f4: {  	[timem:s3], [sflag:s2] =	dma.local @!p0 [hbm:s0], s1  }
0x1f5: {  	s0 =	simm.s32 @!p0 $0x3  }
0x1f6: {  	_ =	swait.ge @!p0 [sflag:s0], s1  }
0x1f7: {  	s1 =	ssub.s32 @!p0 $0x0, s1;
	[sflag:s0] =	ssyncset.done @!p0 $0x0  }
0x1f8: {  	[sflag:s0] =	ssyncadd.s32 @!p0 s1  }
0x1f9: {  	[bflag:$0x3] =	sbarrier.arrive $0xFFFF  }
0x1fa: {  	_ =	shalt  }

</sc_bundles>
